<compile_context>
chip_gen: v7x
topology: tpu7x:2x2x1
jax: 0.10.2.dev20260603
libtpu: 0.0.44.dev20260713+nightly
codegen_flags: <defaults>
</compile_context>

<pallas_src>
import functools

import jax
import jax.numpy as jnp
from jax import lax
from jax.experimental import pallas as pl
from jax.experimental.pallas import tpu as pltpu
from jax.experimental.pallas import tpu_sc as plsc

D_VOCAB = 100000
D_MODEL = 1024
BATCH = 4
POS = 2048

NC = 2
NS = 16
NW = NC * NS

B = BATCH * POS
B_PER_W = B // NW
CH = 16
N_CHUNKS = B_PER_W // CH
N_BUF = 6
DEPTH = N_BUF // 2


def _embed_gather(tokens_flat, w_e):
    mesh = plsc.VectorSubcoreMesh(core_axis_name="c", subcore_axis_name="s")
    idx = tokens_flat.reshape(NW, N_CHUNKS, CH)

    scratch = [pltpu.VMEM((N_CHUNKS, CH), jnp.int32)]
    scratch += [pltpu.VMEM((CH, D_MODEL), jnp.float32) for _ in range(N_BUF)]
    scratch += [pltpu.SemaphoreType.DMA for _ in range(2 * N_BUF)]

    @functools.partial(
        pl.kernel,
        mesh=mesh,
        out_type=jax.ShapeDtypeStruct((B, D_MODEL), jnp.float32),
        scratch_types=scratch,
    )
    def k(table_hbm, idx_hbm, out_hbm, idx_v, *bufs_and_sems):
        rows = bufs_and_sems[:N_BUF]
        gsem = bufs_and_sems[N_BUF:2 * N_BUF]
        wsem = bufs_and_sems[2 * N_BUF:]
        wid = lax.axis_index("s") * NC + lax.axis_index("c")
        base = wid * B_PER_W
        pltpu.sync_copy(idx_hbm.at[wid], idx_v)

        def gather(c):
            b = c % N_BUF
            pltpu.make_async_copy(
                table_hbm.at[idx_v.at[c]], rows[b], gsem[b]).start()

        def write(c):
            b = c % N_BUF
            return pltpu.make_async_copy(
                rows[b], out_hbm.at[pl.ds(base + c * CH, CH)], wsem[b])

        for c in range(min(DEPTH, N_CHUNKS)):
            gather(c)
        for c in range(N_CHUNKS):
            b = c % N_BUF
            pltpu.make_async_copy(
                table_hbm.at[idx_v.at[c]], rows[b], gsem[b]).wait()
            write(c).start()
            n = c + DEPTH
            if n < N_CHUNKS:
                if n >= N_BUF:
                    write(n - N_BUF).wait()
                gather(n)
        for c in range(max(0, N_CHUNKS - N_BUF), N_CHUNKS):
            write(c).wait()

        return None

    return k(w_e, idx)


def kernel(tokens, W_E):
    tokens_flat = tokens.reshape(B).astype(jnp.int32)
    out = _embed_gather(tokens_flat, W_E)
    return out.reshape(BATCH, POS, D_MODEL)

# --- scband reference (transcript-rebuilt; emitter-appended) ---
"""Pipeline reference for scband-embed-76175539962191 (READ-ONLY COPY).

The authoritative reference and input builder live on the scoring server;
editing this copy changes nothing except your own understanding.
"""

import jax, jax.numpy as jnp
import numpy as np

D_VOCAB = 100000
D_MODEL = 1024
BATCH = 4
POS = 2048


def setup_inputs(seed: int = 0) -> dict:
    key = jax.random.key(seed)
    k_tok, k_we = jax.random.split(key)
    tokens = jax.random.randint(k_tok, (BATCH, POS), 0, D_VOCAB, dtype=jnp.int64 if jax.config.jax_enable_x64 else jnp.int32)
    W_E = jax.random.normal(k_we, (D_VOCAB, D_MODEL), dtype=jnp.float32) * 0.02
    return {"tokens": tokens, "W_E": W_E}


def reference(tokens, W_E):
    # Faithful translation of Embed.forward: return self.W_E[tokens, :]
    return jnp.take(W_E, tokens, axis=0)

if __name__ == "__main__":
    import jax
    _d = setup_inputs()
    print(jax.jit(kernel)(*tuple(_d.values())))

</pallas_src>

<mosaic_0001>
#map = affine_map<(d0, d1) -> (0, 0)>
#map1 = affine_map<(d0, d1) -> (0, 0, 0)>
module attributes {stable_mosaic.version = 14 : i64} {
  func.func @k(%arg0: i32, %arg1: i32, %arg2: memref<100000x1024xf32, #tpu.memory_space<hbm>>, %arg3: memref<32x16x16xi32, #tpu.memory_space<hbm>>, %arg4: memref<8192x1024xf32, #tpu.memory_space<hbm>>, %arg5: memref<16x16xi32, #tpu.memory_space<vmem>>, %arg6: memref<16x1024xf32, #tpu.memory_space<vmem>>, %arg7: memref<16x1024xf32, #tpu.memory_space<vmem>>, %arg8: memref<16x1024xf32, #tpu.memory_space<vmem>>, %arg9: memref<16x1024xf32, #tpu.memory_space<vmem>>, %arg10: memref<16x1024xf32, #tpu.memory_space<vmem>>, %arg11: memref<16x1024xf32, #tpu.memory_space<vmem>>, %arg12: memref<!tpu.dma_semaphore, #tpu.memory_space<semaphore_mem>>, %arg13: memref<!tpu.dma_semaphore, #tpu.memory_space<semaphore_mem>>, %arg14: memref<!tpu.dma_semaphore, #tpu.memory_space<semaphore_mem>>, %arg15: memref<!tpu.dma_semaphore, #tpu.memory_space<semaphore_mem>>, %arg16: memref<!tpu.dma_semaphore, #tpu.memory_space<semaphore_mem>>, %arg17: memref<!tpu.dma_semaphore, #tpu.memory_space<semaphore_mem>>, %arg18: memref<!tpu.dma_semaphore, #tpu.memory_space<semaphore_mem>>, %arg19: memref<!tpu.dma_semaphore, #tpu.memory_space<semaphore_mem>>, %arg20: memref<!tpu.dma_semaphore, #tpu.memory_space<semaphore_mem>>, %arg21: memref<!tpu.dma_semaphore, #tpu.memory_space<semaphore_mem>>, %arg22: memref<!tpu.dma_semaphore, #tpu.memory_space<semaphore_mem>>, %arg23: memref<!tpu.dma_semaphore, #tpu.memory_space<semaphore_mem>>) attributes {dimension_semantics = [#tpu.dimension_semantics<core_parallel>, #tpu.dimension_semantics<subcore_parallel>], iteration_bounds = array<i64: 2, 16>, scalar_prefetch = 0 : i64, scratch_operands = 19 : i64, tpu.core_type = #tpu.core_type<sc_vector_subcore>, window_params = [{transform_indices = #map}, {transform_indices = #map1}, {transform_indices = #map}]} {
    %mul3A = arith.constant 2 : i32
    %mul3A_0 = arith.muli %arg1, %mul3A : i32
    %add3A = arith.addi %mul3A_0, %arg0 : i32
    %mul3A_1 = arith.constant 256 : i32
    %mul3A_2 = arith.muli %add3A, %mul3A_1 : i32
    "tpu.region"() ({
      %run_scoped3A = tpu.sem_alloc : memref<!tpu.dma_semaphore, #tpu.memory_space<semaphore_mem>>
      %dma_start3A_417 = arith.constant 0 : i32
      %dma_start3A_418 = arith.constant 0 : i32
      %dma_start3A_419 = tpu.memref_slice %arg3[%add3A, %dma_start3A_417, %dma_start3A_418] : memref<32x16x16xi32, #tpu.memory_space<hbm>> -> memref<1x16x16xi32, #tpu.memory_space<hbm>>
      %dma_start3A_420 = tpu.memref_squeeze %dma_start3A_419 : memref<1x16x16xi32, #tpu.memory_space<hbm>> -> memref<16x16xi32, #tpu.memory_space<hbm>>
      %dma_start3A_421 = arith.constant 0 : i32
      %dma_start3A_422 = arith.constant 0 : i32
      %dma_start3A_423 = tpu.memref_slice %arg3[%add3A, %dma_start3A_421, %dma_start3A_422] : memref<32x16x16xi32, #tpu.memory_space<hbm>> -> memref<1x16x16xi32, #tpu.memory_space<hbm>>
      %dma_start3A_424 = tpu.memref_squeeze %dma_start3A_423 : memref<1x16x16xi32, #tpu.memory_space<hbm>> -> memref<16x16xi32, #tpu.memory_space<hbm>>
      tpu.enqueue_dma source(%dma_start3A_424 : memref<16x16xi32, #tpu.memory_space<hbm>>) target(%arg5 : memref<16x16xi32, #tpu.memory_space<vmem>>) target_semaphore(%run_scoped3A : memref<!tpu.dma_semaphore, #tpu.memory_space<semaphore_mem>>)
      %dma_wait3A_425 = arith.constant 0 : i32
      %dma_wait3A_426 = arith.constant 0 : i32
      %dma_wait3A_427 = tpu.memref_slice %arg3[%add3A, %dma_wait3A_425, %dma_wait3A_426] : memref<32x16x16xi32, #tpu.memory_space<hbm>> -> memref<1x16x16xi32, #tpu.memory_space<hbm>>
      %dma_wait3A_428 = tpu.memref_squeeze %dma_wait3A_427 : memref<1x16x16xi32, #tpu.memory_space<hbm>> -> memref<16x16xi32, #tpu.memory_space<hbm>>
      %dma_wait3A_429 = arith.constant 0 : i32
      %dma_wait3A_430 = arith.constant 0 : i32
      %dma_wait3A_431 = tpu.memref_slice %arg3[%add3A, %dma_wait3A_429, %dma_wait3A_430] : memref<32x16x16xi32, #tpu.memory_space<hbm>> -> memref<1x16x16xi32, #tpu.memory_space<hbm>>
      %dma_wait3A_432 = tpu.memref_squeeze %dma_wait3A_431 : memref<1x16x16xi32, #tpu.memory_space<hbm>> -> memref<16x16xi32, #tpu.memory_space<hbm>>
      tpu.wait_dma2 semaphore(%run_scoped3A : memref<!tpu.dma_semaphore, #tpu.memory_space<semaphore_mem>>) src(%dma_wait3A_432 : memref<16x16xi32, #tpu.memory_space<hbm>>) dst(%arg5 : memref<16x16xi32, #tpu.memory_space<vmem>>)
      tpu.yield
    }) : () -> ()
    %dma_start3A = arith.constant 0 : i32
    %dma_start3A_3 = arith.constant 0 : i32
    %dma_start3A_4 = tpu.memref_slice %arg5[%dma_start3A, %dma_start3A_3] : memref<16x16xi32, #tpu.memory_space<vmem>> -> memref<1x16xi32, #tpu.memory_space<vmem>>
    %dma_start3A_5 = tpu.memref_squeeze %dma_start3A_4 : memref<1x16xi32, #tpu.memory_space<vmem>> -> memref<16xi32, #tpu.memory_space<vmem>>
    %dma_start3A_6 = arith.constant 0 : i32
    %dma_start3A_7 = arith.constant 0 : i32
    %dma_start3A_8 = tpu.memref_slice %arg2[%dma_start3A_6, %dma_start3A_7] : memref<100000x1024xf32, #tpu.memory_space<hbm>> -> memref<100000x1024xf32, #tpu.memory_space<hbm>>
    tpu.enqueue_indirect_dma source(%dma_start3A_8 : memref<100000x1024xf32, #tpu.memory_space<hbm>>) target(%arg6 : memref<16x1024xf32, #tpu.memory_space<vmem>>) offsets(%dma_start3A_5 : memref<16xi32, #tpu.memory_space<vmem>>) semaphore(%arg12 : memref<!tpu.dma_semaphore, #tpu.memory_space<semaphore_mem>>)
    %dma_start3A_9 = arith.constant 1 : i32
    %dma_start3A_10 = arith.constant 0 : i32
    %dma_start3A_11 = tpu.memref_slice %arg5[%dma_start3A_9, %dma_start3A_10] : memref<16x16xi32, #tpu.memory_space<vmem>> -> memref<1x16xi32, #tpu.memory_space<vmem>>
    %dma_start3A_12 = tpu.memref_squeeze %dma_start3A_11 : memref<1x16xi32, #tpu.memory_space<vmem>> -> memref<16xi32, #tpu.memory_space<vmem>>
    %dma_start3A_13 = arith.constant 0 : i32
    %dma_start3A_14 = arith.constant 0 : i32
    %dma_start3A_15 = tpu.memref_slice %arg2[%dma_start3A_13, %dma_start3A_14] : memref<100000x1024xf32, #tpu.memory_space<hbm>> -> memref<100000x1024xf32, #tpu.memory_space<hbm>>
    tpu.enqueue_indirect_dma source(%dma_start3A_15 : memref<100000x1024xf32, #tpu.memory_space<hbm>>) target(%arg7 : memref<16x1024xf32, #tpu.memory_space<vmem>>) offsets(%dma_start3A_12 : memref<16xi32, #tpu.memory_space<vmem>>) semaphore(%arg13 : memref<!tpu.dma_semaphore, #tpu.memory_space<semaphore_mem>>)
    %dma_start3A_16 = arith.constant 2 : i32
    %dma_start3A_17 = arith.constant 0 : i32
    %dma_start3A_18 = tpu.memref_slice %arg5[%dma_start3A_16, %dma_start3A_17] : memref<16x16xi32, #tpu.memory_space<vmem>> -> memref<1x16xi32, #tpu.memory_space<vmem>>
    %dma_start3A_19 = tpu.memref_squeeze %dma_start3A_18 : memref<1x16xi32, #tpu.memory_space<vmem>> -> memref<16xi32, #tpu.memory_space<vmem>>
    %dma_start3A_20 = arith.constant 0 : i32
    %dma_start3A_21 = arith.constant 0 : i32
    %dma_start3A_22 = tpu.memref_slice %arg2[%dma_start3A_20, %dma_start3A_21] : memref<100000x1024xf32, #tpu.memory_space<hbm>> -> memref<100000x1024xf32, #tpu.memory_space<hbm>>
    tpu.enqueue_indirect_dma source(%dma_start3A_22 : memref<100000x1024xf32, #tpu.memory_space<hbm>>) target(%arg8 : memref<16x1024xf32, #tpu.memory_space<vmem>>) offsets(%dma_start3A_19 : memref<16xi32, #tpu.memory_space<vmem>>) semaphore(%arg14 : memref<!tpu.dma_semaphore, #tpu.memory_space<semaphore_mem>>)
    %dma_wait3A = arith.constant 0 : i32
    %dma_wait3A_23 = arith.constant 0 : i32
    %dma_wait3A_24 = tpu.memref_slice %arg5[%dma_wait3A, %dma_wait3A_23] : memref<16x16xi32, #tpu.memory_space<vmem>> -> memref<1x16xi32, #tpu.memory_space<vmem>>
    %dma_wait3A_25 = tpu.memref_squeeze %dma_wait3A_24 : memref<1x16xi32, #tpu.memory_space<vmem>> -> memref<16xi32, #tpu.memory_space<vmem>>
    %dma_wait3A_26 = arith.constant 0 : i32
    %dma_wait3A_27 = arith.constant 0 : i32
    %dma_wait3A_28 = tpu.memref_slice %arg2[%dma_wait3A_26, %dma_wait3A_27] : memref<100000x1024xf32, #tpu.memory_space<hbm>> -> memref<100000x1024xf32, #tpu.memory_space<hbm>>
    tpu.wait_indirect_dma semaphore(%arg12 : memref<!tpu.dma_semaphore, #tpu.memory_space<semaphore_mem>>) src(%dma_wait3A_28 : memref<100000x1024xf32, #tpu.memory_space<hbm>>) dst(%arg6 : memref<16x1024xf32, #tpu.memory_space<vmem>>)
    %add3A_29 = arith.constant 0 : i32
    %add3A_30 = arith.addi %mul3A_2, %add3A_29 : i32
    %dma_start3A_31 = arith.constant 0 : i32
    %dma_start3A_32 = tpu.memref_slice %arg4[%add3A_30, %dma_start3A_31] : memref<8192x1024xf32, #tpu.memory_space<hbm>> -> memref<16x1024xf32, #tpu.memory_space<hbm>>
    %dma_start3A_33 = arith.constant 0 : i32
    %dma_start3A_34 = tpu.memref_slice %arg4[%add3A_30, %dma_start3A_33] : memref<8192x1024xf32, #tpu.memory_space<hbm>> -> memref<16x1024xf32, #tpu.memory_space<hbm>>
    tpu.enqueue_dma source(%arg6 : memref<16x1024xf32, #tpu.memory_space<vmem>>) target(%dma_start3A_34 : memref<16x1024xf32, #tpu.memory_space<hbm>>) target_semaphore(%arg18 : memref<!tpu.dma_semaphore, #tpu.memory_space<semaphore_mem>>)
    %dma_start3A_35 = arith.constant 3 : i32
    %dma_start3A_36 = arith.constant 0 : i32
    %dma_start3A_37 = tpu.memref_slice %arg5[%dma_start3A_35, %dma_start3A_36] : memref<16x16xi32, #tpu.memory_space<vmem>> -> memref<1x16xi32, #tpu.memory_space<vmem>>
    %dma_start3A_38 = tpu.memref_squeeze %dma_start3A_37 : memref<1x16xi32, #tpu.memory_space<vmem>> -> memref<16xi32, #tpu.memory_space<vmem>>
    %dma_start3A_39 = arith.constant 0 : i32
    %dma_start3A_40 = arith.constant 0 : i32
    %dma_start3A_41 = tpu.memref_slice %arg2[%dma_start3A_39, %dma_start3A_40] : memref<100000x1024xf32, #tpu.memory_space<hbm>> -> memref<100000x1024xf32, #tpu.memory_space<hbm>>
    tpu.enqueue_indirect_dma source(%dma_start3A_41 : memref<100000x1024xf32, #tpu.memory_space<hbm>>) target(%arg9 : memref<16x1024xf32, #tpu.memory_space<vmem>>) offsets(%dma_start3A_38 : memref<16xi32, #tpu.memory_space<vmem>>) semaphore(%arg15 : memref<!tpu.dma_semaphore, #tpu.memory_space<semaphore_mem>>)
    %dma_wait3A_42 = arith.constant 1 : i32
    %dma_wait3A_43 = arith.constant 0 : i32
    %dma_wait3A_44 = tpu.memref_slice %arg5[%dma_wait3A_42, %dma_wait3A_43] : memref<16x16xi32, #tpu.memory_space<vmem>> -> memref<1x16xi32, #tpu.memory_space<vmem>>
    %dma_wait3A_45 = tpu.memref_squeeze %dma_wait3A_44 : memref<1x16xi32, #tpu.memory_space<vmem>> -> memref<16xi32, #tpu.memory_space<vmem>>
    %dma_wait3A_46 = arith.constant 0 : i32
    %dma_wait3A_47 = arith.constant 0 : i32
    %dma_wait3A_48 = tpu.memref_slice %arg2[%dma_wait3A_46, %dma_wait3A_47] : memref<100000x1024xf32, #tpu.memory_space<hbm>> -> memref<100000x1024xf32, #tpu.memory_space<hbm>>
    tpu.wait_indirect_dma semaphore(%arg13 : memref<!tpu.dma_semaphore, #tpu.memory_space<semaphore_mem>>) src(%dma_wait3A_48 : memref<100000x1024xf32, #tpu.memory_space<hbm>>) dst(%arg7 : memref<16x1024xf32, #tpu.memory_space<vmem>>)
    %add3A_49 = arith.constant 16 : i32
    %add3A_50 = arith.addi %mul3A_2, %add3A_49 : i32
    %dma_start3A_51 = arith.constant 0 : i32
    %dma_start3A_52 = tpu.memref_slice %arg4[%add3A_50, %dma_start3A_51] : memref<8192x1024xf32, #tpu.memory_space<hbm>> -> memref<16x1024xf32, #tpu.memory_space<hbm>>
    %dma_start3A_53 = arith.constant 0 : i32
    %dma_start3A_54 = tpu.memref_slice %arg4[%add3A_50, %dma_start3A_53] : memref<8192x1024xf32, #tpu.memory_space<hbm>> -> memref<16x1024xf32, #tpu.memory_space<hbm>>
    tpu.enqueue_dma source(%arg7 : memref<16x1024xf32, #tpu.memory_space<vmem>>) target(%dma_start3A_54 : memref<16x1024xf32, #tpu.memory_space<hbm>>) target_semaphore(%arg19 : memref<!tpu.dma_semaphore, #tpu.memory_space<semaphore_mem>>)
    %dma_start3A_55 = arith.constant 4 : i32
    %dma_start3A_56 = arith.constant 0 : i32
    %dma_start3A_57 = tpu.memref_slice %arg5[%dma_start3A_55, %dma_start3A_56] : memref<16x16xi32, #tpu.memory_space<vmem>> -> memref<1x16xi32, #tpu.memory_space<vmem>>
    %dma_start3A_58 = tpu.memref_squeeze %dma_start3A_57 : memref<1x16xi32, #tpu.memory_space<vmem>> -> memref<16xi32, #tpu.memory_space<vmem>>
    %dma_start3A_59 = arith.constant 0 : i32
    %dma_start3A_60 = arith.constant 0 : i32
    %dma_start3A_61 = tpu.memref_slice %arg2[%dma_start3A_59, %dma_start3A_60] : memref<100000x1024xf32, #tpu.memory_space<hbm>> -> memref<100000x1024xf32, #tpu.memory_space<hbm>>
    tpu.enqueue_indirect_dma source(%dma_start3A_61 : memref<100000x1024xf32, #tpu.memory_space<hbm>>) target(%arg10 : memref<16x1024xf32, #tpu.memory_space<vmem>>) offsets(%dma_start3A_58 : memref<16xi32, #tpu.memory_space<vmem>>) semaphore(%arg16 : memref<!tpu.dma_semaphore, #tpu.memory_space<semaphore_mem>>)
    %dma_wait3A_62 = arith.constant 2 : i32
    %dma_wait3A_63 = arith.constant 0 : i32
    %dma_wait3A_64 = tpu.memref_slice %arg5[%dma_wait3A_62, %dma_wait3A_63] : memref<16x16xi32, #tpu.memory_space<vmem>> -> memref<1x16xi32, #tpu.memory_space<vmem>>
    %dma_wait3A_65 = tpu.memref_squeeze %dma_wait3A_64 : memref<1x16xi32, #tpu.memory_space<vmem>> -> memref<16xi32, #tpu.memory_space<vmem>>
    %dma_wait3A_66 = arith.constant 0 : i32
    %dma_wait3A_67 = arith.constant 0 : i32
    %dma_wait3A_68 = tpu.memref_slice %arg2[%dma_wait3A_66, %dma_wait3A_67] : memref<100000x1024xf32, #tpu.memory_space<hbm>> -> memref<100000x1024xf32, #tpu.memory_space<hbm>>
    tpu.wait_indirect_dma semaphore(%arg14 : memref<!tpu.dma_semaphore, #tpu.memory_space<semaphore_mem>>) src(%dma_wait3A_68 : memref<100000x1024xf32, #tpu.memory_space<hbm>>) dst(%arg8 : memref<16x1024xf32, #tpu.memory_space<vmem>>)
    %add3A_69 = arith.constant 32 : i32
    %add3A_70 = arith.addi %mul3A_2, %add3A_69 : i32
    %dma_start3A_71 = arith.constant 0 : i32
    %dma_start3A_72 = tpu.memref_slice %arg4[%add3A_70, %dma_start3A_71] : memref<8192x1024xf32, #tpu.memory_space<hbm>> -> memref<16x1024xf32, #tpu.memory_space<hbm>>
    %dma_start3A_73 = arith.constant 0 : i32
    %dma_start3A_74 = tpu.memref_slice %arg4[%add3A_70, %dma_start3A_73] : memref<8192x1024xf32, #tpu.memory_space<hbm>> -> memref<16x1024xf32, #tpu.memory_space<hbm>>
    tpu.enqueue_dma source(%arg8 : memref<16x1024xf32, #tpu.memory_space<vmem>>) target(%dma_start3A_74 : memref<16x1024xf32, #tpu.memory_space<hbm>>) target_semaphore(%arg20 : memref<!tpu.dma_semaphore, #tpu.memory_space<semaphore_mem>>)
    %dma_start3A_75 = arith.constant 5 : i32
    %dma_start3A_76 = arith.constant 0 : i32
    %dma_start3A_77 = tpu.memref_slice %arg5[%dma_start3A_75, %dma_start3A_76] : memref<16x16xi32, #tpu.memory_space<vmem>> -> memref<1x16xi32, #tpu.memory_space<vmem>>
    %dma_start3A_78 = tpu.memref_squeeze %dma_start3A_77 : memref<1x16xi32, #tpu.memory_space<vmem>> -> memref<16xi32, #tpu.memory_space<vmem>>
    %dma_start3A_79 = arith.constant 0 : i32
    %dma_start3A_80 = arith.constant 0 : i32
    %dma_start3A_81 = tpu.memref_slice %arg2[%dma_start3A_79, %dma_start3A_80] : memref<100000x1024xf32, #tpu.memory_space<hbm>> -> memref<100000x1024xf32, #tpu.memory_space<hbm>>
    tpu.enqueue_indirect_dma source(%dma_start3A_81 : memref<100000x1024xf32, #tpu.memory_space<hbm>>) target(%arg11 : memref<16x1024xf32, #tpu.memory_space<vmem>>) offsets(%dma_start3A_78 : memref<16xi32, #tpu.memory_space<vmem>>) semaphore(%arg17 : memref<!tpu.dma_semaphore, #tpu.memory_space<semaphore_mem>>)
    %dma_wait3A_82 = arith.constant 3 : i32
    %dma_wait3A_83 = arith.constant 0 : i32
    %dma_wait3A_84 = tpu.memref_slice %arg5[%dma_wait3A_82, %dma_wait3A_83] : memref<16x16xi32, #tpu.memory_space<vmem>> -> memref<1x16xi32, #tpu.memory_space<vmem>>
    %dma_wait3A_85 = tpu.memref_squeeze %dma_wait3A_84 : memref<1x16xi32, #tpu.memory_space<vmem>> -> memref<16xi32, #tpu.memory_space<vmem>>
    %dma_wait3A_86 = arith.constant 0 : i32
    %dma_wait3A_87 = arith.constant 0 : i32
    %dma_wait3A_88 = tpu.memref_slice %arg2[%dma_wait3A_86, %dma_wait3A_87] : memref<100000x1024xf32, #tpu.memory_space<hbm>> -> memref<100000x1024xf32, #tpu.memory_space<hbm>>
    tpu.wait_indirect_dma semaphore(%arg15 : memref<!tpu.dma_semaphore, #tpu.memory_space<semaphore_mem>>) src(%dma_wait3A_88 : memref<100000x1024xf32, #tpu.memory_space<hbm>>) dst(%arg9 : memref<16x1024xf32, #tpu.memory_space<vmem>>)
    %add3A_89 = arith.constant 48 : i32
    %add3A_90 = arith.addi %mul3A_2, %add3A_89 : i32
    %dma_start3A_91 = arith.constant 0 : i32
    %dma_start3A_92 = tpu.memref_slice %arg4[%add3A_90, %dma_start3A_91] : memref<8192x1024xf32, #tpu.memory_space<hbm>> -> memref<16x1024xf32, #tpu.memory_space<hbm>>
    %dma_start3A_93 = arith.constant 0 : i32
    %dma_start3A_94 = tpu.memref_slice %arg4[%add3A_90, %dma_start3A_93] : memref<8192x1024xf32, #tpu.memory_space<hbm>> -> memref<16x1024xf32, #tpu.memory_space<hbm>>
    tpu.enqueue_dma source(%arg9 : memref<16x1024xf32, #tpu.memory_space<vmem>>) target(%dma_start3A_94 : memref<16x1024xf32, #tpu.memory_space<hbm>>) target_semaphore(%arg21 : memref<!tpu.dma_semaphore, #tpu.memory_space<semaphore_mem>>)
    %add3A_95 = arith.constant 0 : i32
    %add3A_96 = arith.addi %mul3A_2, %add3A_95 : i32
    %dma_wait3A_97 = arith.constant 0 : i32
    %dma_wait3A_98 = tpu.memref_slice %arg4[%add3A_96, %dma_wait3A_97] : memref<8192x1024xf32, #tpu.memory_space<hbm>> -> memref<16x1024xf32, #tpu.memory_space<hbm>>
    %dma_wait3A_99 = arith.constant 0 : i32
    %dma_wait3A_100 = tpu.memref_slice %arg4[%add3A_96, %dma_wait3A_99] : memref<8192x1024xf32, #tpu.memory_space<hbm>> -> memref<16x1024xf32, #tpu.memory_space<hbm>>
    tpu.wait_dma2 semaphore(%arg18 : memref<!tpu.dma_semaphore, #tpu.memory_space<semaphore_mem>>) src(%arg6 : memref<16x1024xf32, #tpu.memory_space<vmem>>) dst(%dma_wait3A_100 : memref<16x1024xf32, #tpu.memory_space<hbm>>)
    %dma_start3A_101 = arith.constant 6 : i32
    %dma_start3A_102 = arith.constant 0 : i32
    %dma_start3A_103 = tpu.memref_slice %arg5[%dma_start3A_101, %dma_start3A_102] : memref<16x16xi32, #tpu.memory_space<vmem>> -> memref<1x16xi32, #tpu.memory_space<vmem>>
    %dma_start3A_104 = tpu.memref_squeeze %dma_start3A_103 : memref<1x16xi32, #tpu.memory_space<vmem>> -> memref<16xi32, #tpu.memory_space<vmem>>
    %dma_start3A_105 = arith.constant 0 : i32
    %dma_start3A_106 = arith.constant 0 : i32
    %dma_start3A_107 = tpu.memref_slice %arg2[%dma_start3A_105, %dma_start3A_106] : memref<100000x1024xf32, #tpu.memory_space<hbm>> -> memref<100000x1024xf32, #tpu.memory_space<hbm>>
    tpu.enqueue_indirect_dma source(%dma_start3A_107 : memref<100000x1024xf32, #tpu.memory_space<hbm>>) target(%arg6 : memref<16x1024xf32, #tpu.memory_space<vmem>>) offsets(%dma_start3A_104 : memref<16xi32, #tpu.memory_space<vmem>>) semaphore(%arg12 : memref<!tpu.dma_semaphore, #tpu.memory_space<semaphore_mem>>)
    %dma_wait3A_108 = arith.constant 4 : i32
    %dma_wait3A_109 = arith.constant 0 : i32
    %dma_wait3A_110 = tpu.memref_slice %arg5[%dma_wait3A_108, %dma_wait3A_109] : memref<16x16xi32, #tpu.memory_space<vmem>> -> memref<1x16xi32, #tpu.memory_space<vmem>>
    %dma_wait3A_111 = tpu.memref_squeeze %dma_wait3A_110 : memref<1x16xi32, #tpu.memory_space<vmem>> -> memref<16xi32, #tpu.memory_space<vmem>>
    %dma_wait3A_112 = arith.constant 0 : i32
    %dma_wait3A_113 = arith.constant 0 : i32
    %dma_wait3A_114 = tpu.memref_slice %arg2[%dma_wait3A_112, %dma_wait3A_113] : memref<100000x1024xf32, #tpu.memory_space<hbm>> -> memref<100000x1024xf32, #tpu.memory_space<hbm>>
    tpu.wait_indirect_dma semaphore(%arg16 : memref<!tpu.dma_semaphore, #tpu.memory_space<semaphore_mem>>) src(%dma_wait3A_114 : memref<100000x1024xf32, #tpu.memory_space<hbm>>) dst(%arg10 : memref<16x1024xf32, #tpu.memory_space<vmem>>)
    %add3A_115 = arith.constant 64 : i32
    %add3A_116 = arith.addi %mul3A_2, %add3A_115 : i32
    %dma_start3A_117 = arith.constant 0 : i32
    %dma_start3A_118 = tpu.memref_slice %arg4[%add3A_116, %dma_start3A_117] : memref<8192x1024xf32, #tpu.memory_space<hbm>> -> memref<16x1024xf32, #tpu.memory_space<hbm>>
    %dma_start3A_119 = arith.constant 0 : i32
    %dma_start3A_120 = tpu.memref_slice %arg4[%add3A_116, %dma_start3A_119] : memref<8192x1024xf32, #tpu.memory_space<hbm>> -> memref<16x1024xf32, #tpu.memory_space<hbm>>
    tpu.enqueue_dma source(%arg10 : memref<16x1024xf32, #tpu.memory_space<vmem>>) target(%dma_start3A_120 : memref<16x1024xf32, #tpu.memory_space<hbm>>) target_semaphore(%arg22 : memref<!tpu.dma_semaphore, #tpu.memory_space<semaphore_mem>>)
    %add3A_121 = arith.constant 16 : i32
    %add3A_122 = arith.addi %mul3A_2, %add3A_121 : i32
    %dma_wait3A_123 = arith.constant 0 : i32
    %dma_wait3A_124 = tpu.memref_slice %arg4[%add3A_122, %dma_wait3A_123] : memref<8192x1024xf32, #tpu.memory_space<hbm>> -> memref<16x1024xf32, #tpu.memory_space<hbm>>
    %dma_wait3A_125 = arith.constant 0 : i32
    %dma_wait3A_126 = tpu.memref_slice %arg4[%add3A_122, %dma_wait3A_125] : memref<8192x1024xf32, #tpu.memory_space<hbm>> -> memref<16x1024xf32, #tpu.memory_space<hbm>>
    tpu.wait_dma2 semaphore(%arg19 : memref<!tpu.dma_semaphore, #tpu.memory_space<semaphore_mem>>) src(%arg7 : memref<16x1024xf32, #tpu.memory_space<vmem>>) dst(%dma_wait3A_126 : memref<16x1024xf32, #tpu.memory_space<hbm>>)
    %dma_start3A_127 = arith.constant 7 : i32
    %dma_start3A_128 = arith.constant 0 : i32
    %dma_start3A_129 = tpu.memref_slice %arg5[%dma_start3A_127, %dma_start3A_128] : memref<16x16xi32, #tpu.memory_space<vmem>> -> memref<1x16xi32, #tpu.memory_space<vmem>>
    %dma_start3A_130 = tpu.memref_squeeze %dma_start3A_129 : memref<1x16xi32, #tpu.memory_space<vmem>> -> memref<16xi32, #tpu.memory_space<vmem>>
    %dma_start3A_131 = arith.constant 0 : i32
    %dma_start3A_132 = arith.constant 0 : i32
    %dma_start3A_133 = tpu.memref_slice %arg2[%dma_start3A_131, %dma_start3A_132] : memref<100000x1024xf32, #tpu.memory_space<hbm>> -> memref<100000x1024xf32, #tpu.memory_space<hbm>>
    tpu.enqueue_indirect_dma source(%dma_start3A_133 : memref<100000x1024xf32, #tpu.memory_space<hbm>>) target(%arg7 : memref<16x1024xf32, #tpu.memory_space<vmem>>) offsets(%dma_start3A_130 : memref<16xi32, #tpu.memory_space<vmem>>) semaphore(%arg13 : memref<!tpu.dma_semaphore, #tpu.memory_space<semaphore_mem>>)
    %dma_wait3A_134 = arith.constant 5 : i32
    %dma_wait3A_135 = arith.constant 0 : i32
    %dma_wait3A_136 = tpu.memref_slice %arg5[%dma_wait3A_134, %dma_wait3A_135] : memref<16x16xi32, #tpu.memory_space<vmem>> -> memref<1x16xi32, #tpu.memory_space<vmem>>
    %dma_wait3A_137 = tpu.memref_squeeze %dma_wait3A_136 : memref<1x16xi32, #tpu.memory_space<vmem>> -> memref<16xi32, #tpu.memory_space<vmem>>
    %dma_wait3A_138 = arith.constant 0 : i32
    %dma_wait3A_139 = arith.constant 0 : i32
    %dma_wait3A_140 = tpu.memref_slice %arg2[%dma_wait3A_138, %dma_wait3A_139] : memref<100000x1024xf32, #tpu.memory_space<hbm>> -> memref<100000x1024xf32, #tpu.memory_space<hbm>>
    tpu.wait_indirect_dma semaphore(%arg17 : memref<!tpu.dma_semaphore, #tpu.memory_space<semaphore_mem>>) src(%dma_wait3A_140 : memref<100000x1024xf32, #tpu.memory_space<hbm>>) dst(%arg11 : memref<16x1024xf32, #tpu.memory_space<vmem>>)
    %add3A_141 = arith.constant 80 : i32
    %add3A_142 = arith.addi %mul3A_2, %add3A_141 : i32
    %dma_start3A_143 = arith.constant 0 : i32
    %dma_start3A_144 = tpu.memref_slice %arg4[%add3A_142, %dma_start3A_143] : memref<8192x1024xf32, #tpu.memory_space<hbm>> -> memref<16x1024xf32, #tpu.memory_space<hbm>>
    %dma_start3A_145 = arith.constant 0 : i32
    %dma_start3A_146 = tpu.memref_slice %arg4[%add3A_142, %dma_start3A_145] : memref<8192x1024xf32, #tpu.memory_space<hbm>> -> memref<16x1024xf32, #tpu.memory_space<hbm>>
    tpu.enqueue_dma source(%arg11 : memref<16x1024xf32, #tpu.memory_space<vmem>>) target(%dma_start3A_146 : memref<16x1024xf32, #tpu.memory_space<hbm>>) target_semaphore(%arg23 : memref<!tpu.dma_semaphore, #tpu.memory_space<semaphore_mem>>)
    %add3A_147 = arith.constant 32 : i32
    %add3A_148 = arith.addi %mul3A_2, %add3A_147 : i32
    %dma_wait3A_149 = arith.constant 0 : i32
    %dma_wait3A_150 = tpu.memref_slice %arg4[%add3A_148, %dma_wait3A_149] : memref<8192x1024xf32, #tpu.memory_space<hbm>> -> memref<16x1024xf32, #tpu.memory_space<hbm>>
    %dma_wait3A_151 = arith.constant 0 : i32
    %dma_wait3A_152 = tpu.memref_slice %arg4[%add3A_148, %dma_wait3A_151] : memref<8192x1024xf32, #tpu.memory_space<hbm>> -> memref<16x1024xf32, #tpu.memory_space<hbm>>
    tpu.wait_dma2 semaphore(%arg20 : memref<!tpu.dma_semaphore, #tpu.memory_space<semaphore_mem>>) src(%arg8 : memref<16x1024xf32, #tpu.memory_space<vmem>>) dst(%dma_wait3A_152 : memref<16x1024xf32, #tpu.memory_space<hbm>>)
    %dma_start3A_153 = arith.constant 8 : i32
    %dma_start3A_154 = arith.constant 0 : i32
    %dma_start3A_155 = tpu.memref_slice %arg5[%dma_start3A_153, %dma_start3A_154] : memref<16x16xi32, #tpu.memory_space<vmem>> -> memref<1x16xi32, #tpu.memory_space<vmem>>
    %dma_start3A_156 = tpu.memref_squeeze %dma_start3A_155 : memref<1x16xi32, #tpu.memory_space<vmem>> -> memref<16xi32, #tpu.memory_space<vmem>>
    %dma_start3A_157 = arith.constant 0 : i32
    %dma_start3A_158 = arith.constant 0 : i32
    %dma_start3A_159 = tpu.memref_slice %arg2[%dma_start3A_157, %dma_start3A_158] : memref<100000x1024xf32, #tpu.memory_space<hbm>> -> memref<100000x1024xf32, #tpu.memory_space<hbm>>
    tpu.enqueue_indirect_dma source(%dma_start3A_159 : memref<100000x1024xf32, #tpu.memory_space<hbm>>) target(%arg8 : memref<16x1024xf32, #tpu.memory_space<vmem>>) offsets(%dma_start3A_156 : memref<16xi32, #tpu.memory_space<vmem>>) semaphore(%arg14 : memref<!tpu.dma_semaphore, #tpu.memory_space<semaphore_mem>>)
    %dma_wait3A_160 = arith.constant 6 : i32
    %dma_wait3A_161 = arith.constant 0 : i32
    %dma_wait3A_162 = tpu.memref_slice %arg5[%dma_wait3A_160, %dma_wait3A_161] : memref<16x16xi32, #tpu.memory_space<vmem>> -> memref<1x16xi32, #tpu.memory_space<vmem>>
    %dma_wait3A_163 = tpu.memref_squeeze %dma_wait3A_162 : memref<1x16xi32, #tpu.memory_space<vmem>> -> memref<16xi32, #tpu.memory_space<vmem>>
    %dma_wait3A_164 = arith.constant 0 : i32
    %dma_wait3A_165 = arith.constant 0 : i32
    %dma_wait3A_166 = tpu.memref_slice %arg2[%dma_wait3A_164, %dma_wait3A_165] : memref<100000x1024xf32, #tpu.memory_space<hbm>> -> memref<100000x1024xf32, #tpu.memory_space<hbm>>
    tpu.wait_indirect_dma semaphore(%arg12 : memref<!tpu.dma_semaphore, #tpu.memory_space<semaphore_mem>>) src(%dma_wait3A_166 : memref<100000x1024xf32, #tpu.memory_space<hbm>>) dst(%arg6 : memref<16x1024xf32, #tpu.memory_space<vmem>>)
    %add3A_167 = arith.constant 96 : i32
    %add3A_168 = arith.addi %mul3A_2, %add3A_167 : i32
    %dma_start3A_169 = arith.constant 0 : i32
    %dma_start3A_170 = tpu.memref_slice %arg4[%add3A_168, %dma_start3A_169] : memref<8192x1024xf32, #tpu.memory_space<hbm>> -> memref<16x1024xf32, #tpu.memory_space<hbm>>
    %dma_start3A_171 = arith.constant 0 : i32
    %dma_start3A_172 = tpu.memref_slice %arg4[%add3A_168, %dma_start3A_171] : memref<8192x1024xf32, #tpu.memory_space<hbm>> -> memref<16x1024xf32, #tpu.memory_space<hbm>>
    tpu.enqueue_dma source(%arg6 : memref<16x1024xf32, #tpu.memory_space<vmem>>) target(%dma_start3A_172 : memref<16x1024xf32, #tpu.memory_space<hbm>>) target_semaphore(%arg18 : memref<!tpu.dma_semaphore, #tpu.memory_space<semaphore_mem>>)
    %add3A_173 = arith.constant 48 : i32
    %add3A_174 = arith.addi %mul3A_2, %add3A_173 : i32
    %dma_wait3A_175 = arith.constant 0 : i32
    %dma_wait3A_176 = tpu.memref_slice %arg4[%add3A_174, %dma_wait3A_175] : memref<8192x1024xf32, #tpu.memory_space<hbm>> -> memref<16x1024xf32, #tpu.memory_space<hbm>>
    %dma_wait3A_177 = arith.constant 0 : i32
    %dma_wait3A_178 = tpu.memref_slice %arg4[%add3A_174, %dma_wait3A_177] : memref<8192x1024xf32, #tpu.memory_space<hbm>> -> memref<16x1024xf32, #tpu.memory_space<hbm>>
    tpu.wait_dma2 semaphore(%arg21 : memref<!tpu.dma_semaphore, #tpu.memory_space<semaphore_mem>>) src(%arg9 : memref<16x1024xf32, #tpu.memory_space<vmem>>) dst(%dma_wait3A_178 : memref<16x1024xf32, #tpu.memory_space<hbm>>)
    %dma_start3A_179 = arith.constant 9 : i32
    %dma_start3A_180 = arith.constant 0 : i32
    %dma_start3A_181 = tpu.memref_slice %arg5[%dma_start3A_179, %dma_start3A_180] : memref<16x16xi32, #tpu.memory_space<vmem>> -> memref<1x16xi32, #tpu.memory_space<vmem>>
    %dma_start3A_182 = tpu.memref_squeeze %dma_start3A_181 : memref<1x16xi32, #tpu.memory_space<vmem>> -> memref<16xi32, #tpu.memory_space<vmem>>
    %dma_start3A_183 = arith.constant 0 : i32
    %dma_start3A_184 = arith.constant 0 : i32
    %dma_start3A_185 = tpu.memref_slice %arg2[%dma_start3A_183, %dma_start3A_184] : memref<100000x1024xf32, #tpu.memory_space<hbm>> -> memref<100000x1024xf32, #tpu.memory_space<hbm>>
    tpu.enqueue_indirect_dma source(%dma_start3A_185 : memref<100000x1024xf32, #tpu.memory_space<hbm>>) target(%arg9 : memref<16x1024xf32, #tpu.memory_space<vmem>>) offsets(%dma_start3A_182 : memref<16xi32, #tpu.memory_space<vmem>>) semaphore(%arg15 : memref<!tpu.dma_semaphore, #tpu.memory_space<semaphore_mem>>)
    %dma_wait3A_186 = arith.constant 7 : i32
    %dma_wait3A_187 = arith.constant 0 : i32
    %dma_wait3A_188 = tpu.memref_slice %arg5[%dma_wait3A_186, %dma_wait3A_187] : memref<16x16xi32, #tpu.memory_space<vmem>> -> memref<1x16xi32, #tpu.memory_space<vmem>>
    %dma_wait3A_189 = tpu.memref_squeeze %dma_wait3A_188 : memref<1x16xi32, #tpu.memory_space<vmem>> -> memref<16xi32, #tpu.memory_space<vmem>>
    %dma_wait3A_190 = arith.constant 0 : i32
    %dma_wait3A_191 = arith.constant 0 : i32
    %dma_wait3A_192 = tpu.memref_slice %arg2[%dma_wait3A_190, %dma_wait3A_191] : memref<100000x1024xf32, #tpu.memory_space<hbm>> -> memref<100000x1024xf32, #tpu.memory_space<hbm>>
    tpu.wait_indirect_dma semaphore(%arg13 : memref<!tpu.dma_semaphore, #tpu.memory_space<semaphore_mem>>) src(%dma_wait3A_192 : memref<100000x1024xf32, #tpu.memory_space<hbm>>) dst(%arg7 : memref<16x1024xf32, #tpu.memory_space<vmem>>)
    %add3A_193 = arith.constant 112 : i32
    %add3A_194 = arith.addi %mul3A_2, %add3A_193 : i32
    %dma_start3A_195 = arith.constant 0 : i32
    %dma_start3A_196 = tpu.memref_slice %arg4[%add3A_194, %dma_start3A_195] : memref<8192x1024xf32, #tpu.memory_space<hbm>> -> memref<16x1024xf32, #tpu.memory_space<hbm>>
    %dma_start3A_197 = arith.constant 0 : i32
    %dma_start3A_198 = tpu.memref_slice %arg4[%add3A_194, %dma_start3A_197] : memref<8192x1024xf32, #tpu.memory_space<hbm>> -> memref<16x1024xf32, #tpu.memory_space<hbm>>
    tpu.enqueue_dma source(%arg7 : memref<16x1024xf32, #tpu.memory_space<vmem>>) target(%dma_start3A_198 : memref<16x1024xf32, #tpu.memory_space<hbm>>) target_semaphore(%arg19 : memref<!tpu.dma_semaphore, #tpu.memory_space<semaphore_mem>>)
    %add3A_199 = arith.constant 64 : i32
    %add3A_200 = arith.addi %mul3A_2, %add3A_199 : i32
    %dma_wait3A_201 = arith.constant 0 : i32
    %dma_wait3A_202 = tpu.memref_slice %arg4[%add3A_200, %dma_wait3A_201] : memref<8192x1024xf32, #tpu.memory_space<hbm>> -> memref<16x1024xf32, #tpu.memory_space<hbm>>
    %dma_wait3A_203 = arith.constant 0 : i32
    %dma_wait3A_204 = tpu.memref_slice %arg4[%add3A_200, %dma_wait3A_203] : memref<8192x1024xf32, #tpu.memory_space<hbm>> -> memref<16x1024xf32, #tpu.memory_space<hbm>>
    tpu.wait_dma2 semaphore(%arg22 : memref<!tpu.dma_semaphore, #tpu.memory_space<semaphore_mem>>) src(%arg10 : memref<16x1024xf32, #tpu.memory_space<vmem>>) dst(%dma_wait3A_204 : memref<16x1024xf32, #tpu.memory_space<hbm>>)
    %dma_start3A_205 = arith.constant 10 : i32
    %dma_start3A_206 = arith.constant 0 : i32
    %dma_start3A_207 = tpu.memref_slice %arg5[%dma_start3A_205, %dma_start3A_206] : memref<16x16xi32, #tpu.memory_space<vmem>> -> memref<1x16xi32, #tpu.memory_space<vmem>>
    %dma_start3A_208 = tpu.memref_squeeze %dma_start3A_207 : memref<1x16xi32, #tpu.memory_space<vmem>> -> memref<16xi32, #tpu.memory_space<vmem>>
    %dma_start3A_209 = arith.constant 0 : i32
    %dma_start3A_210 = arith.constant 0 : i32
    %dma_start3A_211 = tpu.memref_slice %arg2[%dma_start3A_209, %dma_start3A_210] : memref<100000x1024xf32, #tpu.memory_space<hbm>> -> memref<100000x1024xf32, #tpu.memory_space<hbm>>
    tpu.enqueue_indirect_dma source(%dma_start3A_211 : memref<100000x1024xf32, #tpu.memory_space<hbm>>) target(%arg10 : memref<16x1024xf32, #tpu.memory_space<vmem>>) offsets(%dma_start3A_208 : memref<16xi32, #tpu.memory_space<vmem>>) semaphore(%arg16 : memref<!tpu.dma_semaphore, #tpu.memory_space<semaphore_mem>>)
    %dma_wait3A_212 = arith.constant 8 : i32
    %dma_wait3A_213 = arith.constant 0 : i32
    %dma_wait3A_214 = tpu.memref_slice %arg5[%dma_wait3A_212, %dma_wait3A_213] : memref<16x16xi32, #tpu.memory_space<vmem>> -> memref<1x16xi32, #tpu.memory_space<vmem>>
    %dma_wait3A_215 = tpu.memref_squeeze %dma_wait3A_214 : memref<1x16xi32, #tpu.memory_space<vmem>> -> memref<16xi32, #tpu.memory_space<vmem>>
    %dma_wait3A_216 = arith.constant 0 : i32
    %dma_wait3A_217 = arith.constant 0 : i32
    %dma_wait3A_218 = tpu.memref_slice %arg2[%dma_wait3A_216, %dma_wait3A_217] : memref<100000x1024xf32, #tpu.memory_space<hbm>> -> memref<100000x1024xf32, #tpu.memory_space<hbm>>
    tpu.wait_indirect_dma semaphore(%arg14 : memref<!tpu.dma_semaphore, #tpu.memory_space<semaphore_mem>>) src(%dma_wait3A_218 : memref<100000x1024xf32, #tpu.memory_space<hbm>>) dst(%arg8 : memref<16x1024xf32, #tpu.memory_space<vmem>>)
    %add3A_219 = arith.constant 128 : i32
    %add3A_220 = arith.addi %mul3A_2, %add3A_219 : i32
    %dma_start3A_221 = arith.constant 0 : i32
    %dma_start3A_222 = tpu.memref_slice %arg4[%add3A_220, %dma_start3A_221] : memref<8192x1024xf32, #tpu.memory_space<hbm>> -> memref<16x1024xf32, #tpu.memory_space<hbm>>
    %dma_start3A_223 = arith.constant 0 : i32
    %dma_start3A_224 = tpu.memref_slice %arg4[%add3A_220, %dma_start3A_223] : memref<8192x1024xf32, #tpu.memory_space<hbm>> -> memref<16x1024xf32, #tpu.memory_space<hbm>>
    tpu.enqueue_dma source(%arg8 : memref<16x1024xf32, #tpu.memory_space<vmem>>) target(%dma_start3A_224 : memref<16x1024xf32, #tpu.memory_space<hbm>>) target_semaphore(%arg20 : memref<!tpu.dma_semaphore, #tpu.memory_space<semaphore_mem>>)
    %add3A_225 = arith.constant 80 : i32
    %add3A_226 = arith.addi %mul3A_2, %add3A_225 : i32
    %dma_wait3A_227 = arith.constant 0 : i32
    %dma_wait3A_228 = tpu.memref_slice %arg4[%add3A_226, %dma_wait3A_227] : memref<8192x1024xf32, #tpu.memory_space<hbm>> -> memref<16x1024xf32, #tpu.memory_space<hbm>>
    %dma_wait3A_229 = arith.constant 0 : i32
    %dma_wait3A_230 = tpu.memref_slice %arg4[%add3A_226, %dma_wait3A_229] : memref<8192x1024xf32, #tpu.memory_space<hbm>> -> memref<16x1024xf32, #tpu.memory_space<hbm>>
    tpu.wait_dma2 semaphore(%arg23 : memref<!tpu.dma_semaphore, #tpu.memory_space<semaphore_mem>>) src(%arg11 : memref<16x1024xf32, #tpu.memory_space<vmem>>) dst(%dma_wait3A_230 : memref<16x1024xf32, #tpu.memory_space<hbm>>)
    %dma_start3A_231 = arith.constant 11 : i32
    %dma_start3A_232 = arith.constant 0 : i32
    %dma_start3A_233 = tpu.memref_slice %arg5[%dma_start3A_231, %dma_start3A_232] : memref<16x16xi32, #tpu.memory_space<vmem>> -> memref<1x16xi32, #tpu.memory_space<vmem>>
    %dma_start3A_234 = tpu.memref_squeeze %dma_start3A_233 : memref<1x16xi32, #tpu.memory_space<vmem>> -> memref<16xi32, #tpu.memory_space<vmem>>
    %dma_start3A_235 = arith.constant 0 : i32
    %dma_start3A_236 = arith.constant 0 : i32
    %dma_start3A_237 = tpu.memref_slice %arg2[%dma_start3A_235, %dma_start3A_236] : memref<100000x1024xf32, #tpu.memory_space<hbm>> -> memref<100000x1024xf32, #tpu.memory_space<hbm>>
    tpu.enqueue_indirect_dma source(%dma_start3A_237 : memref<100000x1024xf32, #tpu.memory_space<hbm>>) target(%arg11 : memref<16x1024xf32, #tpu.memory_space<vmem>>) offsets(%dma_start3A_234 : memref<16xi32, #tpu.memory_space<vmem>>) semaphore(%arg17 : memref<!tpu.dma_semaphore, #tpu.memory_space<semaphore_mem>>)
    %dma_wait3A_238 = arith.constant 9 : i32
    %dma_wait3A_239 = arith.constant 0 : i32
    %dma_wait3A_240 = tpu.memref_slice %arg5[%dma_wait3A_238, %dma_wait3A_239] : memref<16x16xi32, #tpu.memory_space<vmem>> -> memref<1x16xi32, #tpu.memory_space<vmem>>
    %dma_wait3A_241 = tpu.memref_squeeze %dma_wait3A_240 : memref<1x16xi32, #tpu.memory_space<vmem>> -> memref<16xi32, #tpu.memory_space<vmem>>
    %dma_wait3A_242 = arith.constant 0 : i32
    %dma_wait3A_243 = arith.constant 0 : i32
    %dma_wait3A_244 = tpu.memref_slice %arg2[%dma_wait3A_242, %dma_wait3A_243] : memref<100000x1024xf32, #tpu.memory_space<hbm>> -> memref<100000x1024xf32, #tpu.memory_space<hbm>>
    tpu.wait_indirect_dma semaphore(%arg15 : memref<!tpu.dma_semaphore, #tpu.memory_space<semaphore_mem>>) src(%dma_wait3A_244 : memref<100000x1024xf32, #tpu.memory_space<hbm>>) dst(%arg9 : memref<16x1024xf32, #tpu.memory_space<vmem>>)
    %add3A_245 = arith.constant 144 : i32
    %add3A_246 = arith.addi %mul3A_2, %add3A_245 : i32
    %dma_start3A_247 = arith.constant 0 : i32
    %dma_start3A_248 = tpu.memref_slice %arg4[%add3A_246, %dma_start3A_247] : memref<8192x1024xf32, #tpu.memory_space<hbm>> -> memref<16x1024xf32, #tpu.memory_space<hbm>>
    %dma_start3A_249 = arith.constant 0 : i32
    %dma_start3A_250 = tpu.memref_slice %arg4[%add3A_246, %dma_start3A_249] : memref<8192x1024xf32, #tpu.memory_space<hbm>> -> memref<16x1024xf32, #tpu.memory_space<hbm>>
    tpu.enqueue_dma source(%arg9 : memref<16x1024xf32, #tpu.memory_space<vmem>>) target(%dma_start3A_250 : memref<16x1024xf32, #tpu.memory_space<hbm>>) target_semaphore(%arg21 : memref<!tpu.dma_semaphore, #tpu.memory_space<semaphore_mem>>)
    %add3A_251 = arith.constant 96 : i32
    %add3A_252 = arith.addi %mul3A_2, %add3A_251 : i32
    %dma_wait3A_253 = arith.constant 0 : i32
    %dma_wait3A_254 = tpu.memref_slice %arg4[%add3A_252, %dma_wait3A_253] : memref<8192x1024xf32, #tpu.memory_space<hbm>> -> memref<16x1024xf32, #tpu.memory_space<hbm>>
    %dma_wait3A_255 = arith.constant 0 : i32
    %dma_wait3A_256 = tpu.memref_slice %arg4[%add3A_252, %dma_wait3A_255] : memref<8192x1024xf32, #tpu.memory_space<hbm>> -> memref<16x1024xf32, #tpu.memory_space<hbm>>
    tpu.wait_dma2 semaphore(%arg18 : memref<!tpu.dma_semaphore, #tpu.memory_space<semaphore_mem>>) src(%arg6 : memref<16x1024xf32, #tpu.memory_space<vmem>>) dst(%dma_wait3A_256 : memref<16x1024xf32, #tpu.memory_space<hbm>>)
    %dma_start3A_257 = arith.constant 12 : i32
    %dma_start3A_258 = arith.constant 0 : i32
    %dma_start3A_259 = tpu.memref_slice %arg5[%dma_start3A_257, %dma_start3A_258] : memref<16x16xi32, #tpu.memory_space<vmem>> -> memref<1x16xi32, #tpu.memory_space<vmem>>
    %dma_start3A_260 = tpu.memref_squeeze %dma_start3A_259 : memref<1x16xi32, #tpu.memory_space<vmem>> -> memref<16xi32, #tpu.memory_space<vmem>>
    %dma_start3A_261 = arith.constant 0 : i32
    %dma_start3A_262 = arith.constant 0 : i32
    %dma_start3A_263 = tpu.memref_slice %arg2[%dma_start3A_261, %dma_start3A_262] : memref<100000x1024xf32, #tpu.memory_space<hbm>> -> memref<100000x1024xf32, #tpu.memory_space<hbm>>
    tpu.enqueue_indirect_dma source(%dma_start3A_263 : memref<100000x1024xf32, #tpu.memory_space<hbm>>) target(%arg6 : memref<16x1024xf32, #tpu.memory_space<vmem>>) offsets(%dma_start3A_260 : memref<16xi32, #tpu.memory_space<vmem>>) semaphore(%arg12 : memref<!tpu.dma_semaphore, #tpu.memory_space<semaphore_mem>>)
    %dma_wait3A_264 = arith.constant 10 : i32
    %dma_wait3A_265 = arith.constant 0 : i32
    %dma_wait3A_266 = tpu.memref_slice %arg5[%dma_wait3A_264, %dma_wait3A_265] : memref<16x16xi32, #tpu.memory_space<vmem>> -> memref<1x16xi32, #tpu.memory_space<vmem>>
    %dma_wait3A_267 = tpu.memref_squeeze %dma_wait3A_266 : memref<1x16xi32, #tpu.memory_space<vmem>> -> memref<16xi32, #tpu.memory_space<vmem>>
    %dma_wait3A_268 = arith.constant 0 : i32
    %dma_wait3A_269 = arith.constant 0 : i32
    %dma_wait3A_270 = tpu.memref_slice %arg2[%dma_wait3A_268, %dma_wait3A_269] : memref<100000x1024xf32, #tpu.memory_space<hbm>> -> memref<100000x1024xf32, #tpu.memory_space<hbm>>
    tpu.wait_indirect_dma semaphore(%arg16 : memref<!tpu.dma_semaphore, #tpu.memory_space<semaphore_mem>>) src(%dma_wait3A_270 : memref<100000x1024xf32, #tpu.memory_space<hbm>>) dst(%arg10 : memref<16x1024xf32, #tpu.memory_space<vmem>>)
    %add3A_271 = arith.constant 160 : i32
    %add3A_272 = arith.addi %mul3A_2, %add3A_271 : i32
    %dma_start3A_273 = arith.constant 0 : i32
    %dma_start3A_274 = tpu.memref_slice %arg4[%add3A_272, %dma_start3A_273] : memref<8192x1024xf32, #tpu.memory_space<hbm>> -> memref<16x1024xf32, #tpu.memory_space<hbm>>
    %dma_start3A_275 = arith.constant 0 : i32
    %dma_start3A_276 = tpu.memref_slice %arg4[%add3A_272, %dma_start3A_275] : memref<8192x1024xf32, #tpu.memory_space<hbm>> -> memref<16x1024xf32, #tpu.memory_space<hbm>>
    tpu.enqueue_dma source(%arg10 : memref<16x1024xf32, #tpu.memory_space<vmem>>) target(%dma_start3A_276 : memref<16x1024xf32, #tpu.memory_space<hbm>>) target_semaphore(%arg22 : memref<!tpu.dma_semaphore, #tpu.memory_space<semaphore_mem>>)
    %add3A_277 = arith.constant 112 : i32
    %add3A_278 = arith.addi %mul3A_2, %add3A_277 : i32
    %dma_wait3A_279 = arith.constant 0 : i32
    %dma_wait3A_280 = tpu.memref_slice %arg4[%add3A_278, %dma_wait3A_279] : memref<8192x1024xf32, #tpu.memory_space<hbm>> -> memref<16x1024xf32, #tpu.memory_space<hbm>>
    %dma_wait3A_281 = arith.constant 0 : i32
    %dma_wait3A_282 = tpu.memref_slice %arg4[%add3A_278, %dma_wait3A_281] : memref<8192x1024xf32, #tpu.memory_space<hbm>> -> memref<16x1024xf32, #tpu.memory_space<hbm>>
    tpu.wait_dma2 semaphore(%arg19 : memref<!tpu.dma_semaphore, #tpu.memory_space<semaphore_mem>>) src(%arg7 : memref<16x1024xf32, #tpu.memory_space<vmem>>) dst(%dma_wait3A_282 : memref<16x1024xf32, #tpu.memory_space<hbm>>)
    %dma_start3A_283 = arith.constant 13 : i32
    %dma_start3A_284 = arith.constant 0 : i32
    %dma_start3A_285 = tpu.memref_slice %arg5[%dma_start3A_283, %dma_start3A_284] : memref<16x16xi32, #tpu.memory_space<vmem>> -> memref<1x16xi32, #tpu.memory_space<vmem>>
    %dma_start3A_286 = tpu.memref_squeeze %dma_start3A_285 : memref<1x16xi32, #tpu.memory_space<vmem>> -> memref<16xi32, #tpu.memory_space<vmem>>
    %dma_start3A_287 = arith.constant 0 : i32
    %dma_start3A_288 = arith.constant 0 : i32
    %dma_start3A_289 = tpu.memref_slice %arg2[%dma_start3A_287, %dma_start3A_288] : memref<100000x1024xf32, #tpu.memory_space<hbm>> -> memref<100000x1024xf32, #tpu.memory_space<hbm>>
    tpu.enqueue_indirect_dma source(%dma_start3A_289 : memref<100000x1024xf32, #tpu.memory_space<hbm>>) target(%arg7 : memref<16x1024xf32, #tpu.memory_space<vmem>>) offsets(%dma_start3A_286 : memref<16xi32, #tpu.memory_space<vmem>>) semaphore(%arg13 : memref<!tpu.dma_semaphore, #tpu.memory_space<semaphore_mem>>)
    %dma_wait3A_290 = arith.constant 11 : i32
    %dma_wait3A_291 = arith.constant 0 : i32
    %dma_wait3A_292 = tpu.memref_slice %arg5[%dma_wait3A_290, %dma_wait3A_291] : memref<16x16xi32, #tpu.memory_space<vmem>> -> memref<1x16xi32, #tpu.memory_space<vmem>>
    %dma_wait3A_293 = tpu.memref_squeeze %dma_wait3A_292 : memref<1x16xi32, #tpu.memory_space<vmem>> -> memref<16xi32, #tpu.memory_space<vmem>>
    %dma_wait3A_294 = arith.constant 0 : i32
    %dma_wait3A_295 = arith.constant 0 : i32
    %dma_wait3A_296 = tpu.memref_slice %arg2[%dma_wait3A_294, %dma_wait3A_295] : memref<100000x1024xf32, #tpu.memory_space<hbm>> -> memref<100000x1024xf32, #tpu.memory_space<hbm>>
    tpu.wait_indirect_dma semaphore(%arg17 : memref<!tpu.dma_semaphore, #tpu.memory_space<semaphore_mem>>) src(%dma_wait3A_296 : memref<100000x1024xf32, #tpu.memory_space<hbm>>) dst(%arg11 : memref<16x1024xf32, #tpu.memory_space<vmem>>)
    %add3A_297 = arith.constant 176 : i32
    %add3A_298 = arith.addi %mul3A_2, %add3A_297 : i32
    %dma_start3A_299 = arith.constant 0 : i32
    %dma_start3A_300 = tpu.memref_slice %arg4[%add3A_298, %dma_start3A_299] : memref<8192x1024xf32, #tpu.memory_space<hbm>> -> memref<16x1024xf32, #tpu.memory_space<hbm>>
    %dma_start3A_301 = arith.constant 0 : i32
    %dma_start3A_302 = tpu.memref_slice %arg4[%add3A_298, %dma_start3A_301] : memref<8192x1024xf32, #tpu.memory_space<hbm>> -> memref<16x1024xf32, #tpu.memory_space<hbm>>
    tpu.enqueue_dma source(%arg11 : memref<16x1024xf32, #tpu.memory_space<vmem>>) target(%dma_start3A_302 : memref<16x1024xf32, #tpu.memory_space<hbm>>) target_semaphore(%arg23 : memref<!tpu.dma_semaphore, #tpu.memory_space<semaphore_mem>>)
    %add3A_303 = arith.constant 128 : i32
    %add3A_304 = arith.addi %mul3A_2, %add3A_303 : i32
    %dma_wait3A_305 = arith.constant 0 : i32
    %dma_wait3A_306 = tpu.memref_slice %arg4[%add3A_304, %dma_wait3A_305] : memref<8192x1024xf32, #tpu.memory_space<hbm>> -> memref<16x1024xf32, #tpu.memory_space<hbm>>
    %dma_wait3A_307 = arith.constant 0 : i32
    %dma_wait3A_308 = tpu.memref_slice %arg4[%add3A_304, %dma_wait3A_307] : memref<8192x1024xf32, #tpu.memory_space<hbm>> -> memref<16x1024xf32, #tpu.memory_space<hbm>>
    tpu.wait_dma2 semaphore(%arg20 : memref<!tpu.dma_semaphore, #tpu.memory_space<semaphore_mem>>) src(%arg8 : memref<16x1024xf32, #tpu.memory_space<vmem>>) dst(%dma_wait3A_308 : memref<16x1024xf32, #tpu.memory_space<hbm>>)
    %dma_start3A_309 = arith.constant 14 : i32
    %dma_start3A_310 = arith.constant 0 : i32
    %dma_start3A_311 = tpu.memref_slice %arg5[%dma_start3A_309, %dma_start3A_310] : memref<16x16xi32, #tpu.memory_space<vmem>> -> memref<1x16xi32, #tpu.memory_space<vmem>>
    %dma_start3A_312 = tpu.memref_squeeze %dma_start3A_311 : memref<1x16xi32, #tpu.memory_space<vmem>> -> memref<16xi32, #tpu.memory_space<vmem>>
    %dma_start3A_313 = arith.constant 0 : i32
    %dma_start3A_314 = arith.constant 0 : i32
    %dma_start3A_315 = tpu.memref_slice %arg2[%dma_start3A_313, %dma_start3A_314] : memref<100000x1024xf32, #tpu.memory_space<hbm>> -> memref<100000x1024xf32, #tpu.memory_space<hbm>>
    tpu.enqueue_indirect_dma source(%dma_start3A_315 : memref<100000x1024xf32, #tpu.memory_space<hbm>>) target(%arg8 : memref<16x1024xf32, #tpu.memory_space<vmem>>) offsets(%dma_start3A_312 : memref<16xi32, #tpu.memory_space<vmem>>) semaphore(%arg14 : memref<!tpu.dma_semaphore, #tpu.memory_space<semaphore_mem>>)
    %dma_wait3A_316 = arith.constant 12 : i32
    %dma_wait3A_317 = arith.constant 0 : i32
    %dma_wait3A_318 = tpu.memref_slice %arg5[%dma_wait3A_316, %dma_wait3A_317] : memref<16x16xi32, #tpu.memory_space<vmem>> -> memref<1x16xi32, #tpu.memory_space<vmem>>
    %dma_wait3A_319 = tpu.memref_squeeze %dma_wait3A_318 : memref<1x16xi32, #tpu.memory_space<vmem>> -> memref<16xi32, #tpu.memory_space<vmem>>
    %dma_wait3A_320 = arith.constant 0 : i32
    %dma_wait3A_321 = arith.constant 0 : i32
    %dma_wait3A_322 = tpu.memref_slice %arg2[%dma_wait3A_320, %dma_wait3A_321] : memref<100000x1024xf32, #tpu.memory_space<hbm>> -> memref<100000x1024xf32, #tpu.memory_space<hbm>>
    tpu.wait_indirect_dma semaphore(%arg12 : memref<!tpu.dma_semaphore, #tpu.memory_space<semaphore_mem>>) src(%dma_wait3A_322 : memref<100000x1024xf32, #tpu.memory_space<hbm>>) dst(%arg6 : memref<16x1024xf32, #tpu.memory_space<vmem>>)
    %add3A_323 = arith.constant 192 : i32
    %add3A_324 = arith.addi %mul3A_2, %add3A_323 : i32
    %dma_start3A_325 = arith.constant 0 : i32
    %dma_start3A_326 = tpu.memref_slice %arg4[%add3A_324, %dma_start3A_325] : memref<8192x1024xf32, #tpu.memory_space<hbm>> -> memref<16x1024xf32, #tpu.memory_space<hbm>>
    %dma_start3A_327 = arith.constant 0 : i32
    %dma_start3A_328 = tpu.memref_slice %arg4[%add3A_324, %dma_start3A_327] : memref<8192x1024xf32, #tpu.memory_space<hbm>> -> memref<16x1024xf32, #tpu.memory_space<hbm>>
    tpu.enqueue_dma source(%arg6 : memref<16x1024xf32, #tpu.memory_space<vmem>>) target(%dma_start3A_328 : memref<16x1024xf32, #tpu.memory_space<hbm>>) target_semaphore(%arg18 : memref<!tpu.dma_semaphore, #tpu.memory_space<semaphore_mem>>)
    %add3A_329 = arith.constant 144 : i32
    %add3A_330 = arith.addi %mul3A_2, %add3A_329 : i32
    %dma_wait3A_331 = arith.constant 0 : i32
    %dma_wait3A_332 = tpu.memref_slice %arg4[%add3A_330, %dma_wait3A_331] : memref<8192x1024xf32, #tpu.memory_space<hbm>> -> memref<16x1024xf32, #tpu.memory_space<hbm>>
    %dma_wait3A_333 = arith.constant 0 : i32
    %dma_wait3A_334 = tpu.memref_slice %arg4[%add3A_330, %dma_wait3A_333] : memref<8192x1024xf32, #tpu.memory_space<hbm>> -> memref<16x1024xf32, #tpu.memory_space<hbm>>
    tpu.wait_dma2 semaphore(%arg21 : memref<!tpu.dma_semaphore, #tpu.memory_space<semaphore_mem>>) src(%arg9 : memref<16x1024xf32, #tpu.memory_space<vmem>>) dst(%dma_wait3A_334 : memref<16x1024xf32, #tpu.memory_space<hbm>>)
    %dma_start3A_335 = arith.constant 15 : i32
    %dma_start3A_336 = arith.constant 0 : i32
    %dma_start3A_337 = tpu.memref_slice %arg5[%dma_start3A_335, %dma_start3A_336] : memref<16x16xi32, #tpu.memory_space<vmem>> -> memref<1x16xi32, #tpu.memory_space<vmem>>
    %dma_start3A_338 = tpu.memref_squeeze %dma_start3A_337 : memref<1x16xi32, #tpu.memory_space<vmem>> -> memref<16xi32, #tpu.memory_space<vmem>>
    %dma_start3A_339 = arith.constant 0 : i32
    %dma_start3A_340 = arith.constant 0 : i32
    %dma_start3A_341 = tpu.memref_slice %arg2[%dma_start3A_339, %dma_start3A_340] : memref<100000x1024xf32, #tpu.memory_space<hbm>> -> memref<100000x1024xf32, #tpu.memory_space<hbm>>
    tpu.enqueue_indirect_dma source(%dma_start3A_341 : memref<100000x1024xf32, #tpu.memory_space<hbm>>) target(%arg9 : memref<16x1024xf32, #tpu.memory_space<vmem>>) offsets(%dma_start3A_338 : memref<16xi32, #tpu.memory_space<vmem>>) semaphore(%arg15 : memref<!tpu.dma_semaphore, #tpu.memory_space<semaphore_mem>>)
    %dma_wait3A_342 = arith.constant 13 : i32
    %dma_wait3A_343 = arith.constant 0 : i32
    %dma_wait3A_344 = tpu.memref_slice %arg5[%dma_wait3A_342, %dma_wait3A_343] : memref<16x16xi32, #tpu.memory_space<vmem>> -> memref<1x16xi32, #tpu.memory_space<vmem>>
    %dma_wait3A_345 = tpu.memref_squeeze %dma_wait3A_344 : memref<1x16xi32, #tpu.memory_space<vmem>> -> memref<16xi32, #tpu.memory_space<vmem>>
    %dma_wait3A_346 = arith.constant 0 : i32
    %dma_wait3A_347 = arith.constant 0 : i32
    %dma_wait3A_348 = tpu.memref_slice %arg2[%dma_wait3A_346, %dma_wait3A_347] : memref<100000x1024xf32, #tpu.memory_space<hbm>> -> memref<100000x1024xf32, #tpu.memory_space<hbm>>
    tpu.wait_indirect_dma semaphore(%arg13 : memref<!tpu.dma_semaphore, #tpu.memory_space<semaphore_mem>>) src(%dma_wait3A_348 : memref<100000x1024xf32, #tpu.memory_space<hbm>>) dst(%arg7 : memref<16x1024xf32, #tpu.memory_space<vmem>>)
    %add3A_349 = arith.constant 208 : i32
    %add3A_350 = arith.addi %mul3A_2, %add3A_349 : i32
    %dma_start3A_351 = arith.constant 0 : i32
    %dma_start3A_352 = tpu.memref_slice %arg4[%add3A_350, %dma_start3A_351] : memref<8192x1024xf32, #tpu.memory_space<hbm>> -> memref<16x1024xf32, #tpu.memory_space<hbm>>
    %dma_start3A_353 = arith.constant 0 : i32
    %dma_start3A_354 = tpu.memref_slice %arg4[%add3A_350, %dma_start3A_353] : memref<8192x1024xf32, #tpu.memory_space<hbm>> -> memref<16x1024xf32, #tpu.memory_space<hbm>>
    tpu.enqueue_dma source(%arg7 : memref<16x1024xf32, #tpu.memory_space<vmem>>) target(%dma_start3A_354 : memref<16x1024xf32, #tpu.memory_space<hbm>>) target_semaphore(%arg19 : memref<!tpu.dma_semaphore, #tpu.memory_space<semaphore_mem>>)
    %dma_wait3A_355 = arith.constant 14 : i32
    %dma_wait3A_356 = arith.constant 0 : i32
    %dma_wait3A_357 = tpu.memref_slice %arg5[%dma_wait3A_355, %dma_wait3A_356] : memref<16x16xi32, #tpu.memory_space<vmem>> -> memref<1x16xi32, #tpu.memory_space<vmem>>
    %dma_wait3A_358 = tpu.memref_squeeze %dma_wait3A_357 : memref<1x16xi32, #tpu.memory_space<vmem>> -> memref<16xi32, #tpu.memory_space<vmem>>
    %dma_wait3A_359 = arith.constant 0 : i32
    %dma_wait3A_360 = arith.constant 0 : i32
    %dma_wait3A_361 = tpu.memref_slice %arg2[%dma_wait3A_359, %dma_wait3A_360] : memref<100000x1024xf32, #tpu.memory_space<hbm>> -> memref<100000x1024xf32, #tpu.memory_space<hbm>>
    tpu.wait_indirect_dma semaphore(%arg14 : memref<!tpu.dma_semaphore, #tpu.memory_space<semaphore_mem>>) src(%dma_wait3A_361 : memref<100000x1024xf32, #tpu.memory_space<hbm>>) dst(%arg8 : memref<16x1024xf32, #tpu.memory_space<vmem>>)
    %add3A_362 = arith.constant 224 : i32
    %add3A_363 = arith.addi %mul3A_2, %add3A_362 : i32
    %dma_start3A_364 = arith.constant 0 : i32
    %dma_start3A_365 = tpu.memref_slice %arg4[%add3A_363, %dma_start3A_364] : memref<8192x1024xf32, #tpu.memory_space<hbm>> -> memref<16x1024xf32, #tpu.memory_space<hbm>>
    %dma_start3A_366 = arith.constant 0 : i32
    %dma_start3A_367 = tpu.memref_slice %arg4[%add3A_363, %dma_start3A_366] : memref<8192x1024xf32, #tpu.memory_space<hbm>> -> memref<16x1024xf32, #tpu.memory_space<hbm>>
    tpu.enqueue_dma source(%arg8 : memref<16x1024xf32, #tpu.memory_space<vmem>>) target(%dma_start3A_367 : memref<16x1024xf32, #tpu.memory_space<hbm>>) target_semaphore(%arg20 : memref<!tpu.dma_semaphore, #tpu.memory_space<semaphore_mem>>)
    %dma_wait3A_368 = arith.constant 15 : i32
    %dma_wait3A_369 = arith.constant 0 : i32
    %dma_wait3A_370 = tpu.memref_slice %arg5[%dma_wait3A_368, %dma_wait3A_369] : memref<16x16xi32, #tpu.memory_space<vmem>> -> memref<1x16xi32, #tpu.memory_space<vmem>>
    %dma_wait3A_371 = tpu.memref_squeeze %dma_wait3A_370 : memref<1x16xi32, #tpu.memory_space<vmem>> -> memref<16xi32, #tpu.memory_space<vmem>>
    %dma_wait3A_372 = arith.constant 0 : i32
    %dma_wait3A_373 = arith.constant 0 : i32
    %dma_wait3A_374 = tpu.memref_slice %arg2[%dma_wait3A_372, %dma_wait3A_373] : memref<100000x1024xf32, #tpu.memory_space<hbm>> -> memref<100000x1024xf32, #tpu.memory_space<hbm>>
    tpu.wait_indirect_dma semaphore(%arg15 : memref<!tpu.dma_semaphore, #tpu.memory_space<semaphore_mem>>) src(%dma_wait3A_374 : memref<100000x1024xf32, #tpu.memory_space<hbm>>) dst(%arg9 : memref<16x1024xf32, #tpu.memory_space<vmem>>)
    %add3A_375 = arith.constant 240 : i32
    %add3A_376 = arith.addi %mul3A_2, %add3A_375 : i32
    %dma_start3A_377 = arith.constant 0 : i32
    %dma_start3A_378 = tpu.memref_slice %arg4[%add3A_376, %dma_start3A_377] : memref<8192x1024xf32, #tpu.memory_space<hbm>> -> memref<16x1024xf32, #tpu.memory_space<hbm>>
    %dma_start3A_379 = arith.constant 0 : i32
    %dma_start3A_380 = tpu.memref_slice %arg4[%add3A_376, %dma_start3A_379] : memref<8192x1024xf32, #tpu.memory_space<hbm>> -> memref<16x1024xf32, #tpu.memory_space<hbm>>
    tpu.enqueue_dma source(%arg9 : memref<16x1024xf32, #tpu.memory_space<vmem>>) target(%dma_start3A_380 : memref<16x1024xf32, #tpu.memory_space<hbm>>) target_semaphore(%arg21 : memref<!tpu.dma_semaphore, #tpu.memory_space<semaphore_mem>>)
    %add3A_381 = arith.constant 160 : i32
    %add3A_382 = arith.addi %mul3A_2, %add3A_381 : i32
    %dma_wait3A_383 = arith.constant 0 : i32
    %dma_wait3A_384 = tpu.memref_slice %arg4[%add3A_382, %dma_wait3A_383] : memref<8192x1024xf32, #tpu.memory_space<hbm>> -> memref<16x1024xf32, #tpu.memory_space<hbm>>
    %dma_wait3A_385 = arith.constant 0 : i32
    %dma_wait3A_386 = tpu.memref_slice %arg4[%add3A_382, %dma_wait3A_385] : memref<8192x1024xf32, #tpu.memory_space<hbm>> -> memref<16x1024xf32, #tpu.memory_space<hbm>>
    tpu.wait_dma2 semaphore(%arg22 : memref<!tpu.dma_semaphore, #tpu.memory_space<semaphore_mem>>) src(%arg10 : memref<16x1024xf32, #tpu.memory_space<vmem>>) dst(%dma_wait3A_386 : memref<16x1024xf32, #tpu.memory_space<hbm>>)
    %add3A_387 = arith.constant 176 : i32
    %add3A_388 = arith.addi %mul3A_2, %add3A_387 : i32
    %dma_wait3A_389 = arith.constant 0 : i32
    %dma_wait3A_390 = tpu.memref_slice %arg4[%add3A_388, %dma_wait3A_389] : memref<8192x1024xf32, #tpu.memory_space<hbm>> -> memref<16x1024xf32, #tpu.memory_space<hbm>>
    %dma_wait3A_391 = arith.constant 0 : i32
    %dma_wait3A_392 = tpu.memref_slice %arg4[%add3A_388, %dma_wait3A_391] : memref<8192x1024xf32, #tpu.memory_space<hbm>> -> memref<16x1024xf32, #tpu.memory_space<hbm>>
    tpu.wait_dma2 semaphore(%arg23 : memref<!tpu.dma_semaphore, #tpu.memory_space<semaphore_mem>>) src(%arg11 : memref<16x1024xf32, #tpu.memory_space<vmem>>) dst(%dma_wait3A_392 : memref<16x1024xf32, #tpu.memory_space<hbm>>)
    %add3A_393 = arith.constant 192 : i32
    %add3A_394 = arith.addi %mul3A_2, %add3A_393 : i32
    %dma_wait3A_395 = arith.constant 0 : i32
    %dma_wait3A_396 = tpu.memref_slice %arg4[%add3A_394, %dma_wait3A_395] : memref<8192x1024xf32, #tpu.memory_space<hbm>> -> memref<16x1024xf32, #tpu.memory_space<hbm>>
    %dma_wait3A_397 = arith.constant 0 : i32
    %dma_wait3A_398 = tpu.memref_slice %arg4[%add3A_394, %dma_wait3A_397] : memref<8192x1024xf32, #tpu.memory_space<hbm>> -> memref<16x1024xf32, #tpu.memory_space<hbm>>
    tpu.wait_dma2 semaphore(%arg18 : memref<!tpu.dma_semaphore, #tpu.memory_space<semaphore_mem>>) src(%arg6 : memref<16x1024xf32, #tpu.memory_space<vmem>>) dst(%dma_wait3A_398 : memref<16x1024xf32, #tpu.memory_space<hbm>>)
    %add3A_399 = arith.constant 208 : i32
    %add3A_400 = arith.addi %mul3A_2, %add3A_399 : i32
    %dma_wait3A_401 = arith.constant 0 : i32
    %dma_wait3A_402 = tpu.memref_slice %arg4[%add3A_400, %dma_wait3A_401] : memref<8192x1024xf32, #tpu.memory_space<hbm>> -> memref<16x1024xf32, #tpu.memory_space<hbm>>
    %dma_wait3A_403 = arith.constant 0 : i32
    %dma_wait3A_404 = tpu.memref_slice %arg4[%add3A_400, %dma_wait3A_403] : memref<8192x1024xf32, #tpu.memory_space<hbm>> -> memref<16x1024xf32, #tpu.memory_space<hbm>>
    tpu.wait_dma2 semaphore(%arg19 : memref<!tpu.dma_semaphore, #tpu.memory_space<semaphore_mem>>) src(%arg7 : memref<16x1024xf32, #tpu.memory_space<vmem>>) dst(%dma_wait3A_404 : memref<16x1024xf32, #tpu.memory_space<hbm>>)
    %add3A_405 = arith.constant 224 : i32
    %add3A_406 = arith.addi %mul3A_2, %add3A_405 : i32
    %dma_wait3A_407 = arith.constant 0 : i32
    %dma_wait3A_408 = tpu.memref_slice %arg4[%add3A_406, %dma_wait3A_407] : memref<8192x1024xf32, #tpu.memory_space<hbm>> -> memref<16x1024xf32, #tpu.memory_space<hbm>>
    %dma_wait3A_409 = arith.constant 0 : i32
    %dma_wait3A_410 = tpu.memref_slice %arg4[%add3A_406, %dma_wait3A_409] : memref<8192x1024xf32, #tpu.memory_space<hbm>> -> memref<16x1024xf32, #tpu.memory_space<hbm>>
    tpu.wait_dma2 semaphore(%arg20 : memref<!tpu.dma_semaphore, #tpu.memory_space<semaphore_mem>>) src(%arg8 : memref<16x1024xf32, #tpu.memory_space<vmem>>) dst(%dma_wait3A_410 : memref<16x1024xf32, #tpu.memory_space<hbm>>)
    %add3A_411 = arith.constant 240 : i32
    %add3A_412 = arith.addi %mul3A_2, %add3A_411 : i32
    %dma_wait3A_413 = arith.constant 0 : i32
    %dma_wait3A_414 = tpu.memref_slice %arg4[%add3A_412, %dma_wait3A_413] : memref<8192x1024xf32, #tpu.memory_space<hbm>> -> memref<16x1024xf32, #tpu.memory_space<hbm>>
    %dma_wait3A_415 = arith.constant 0 : i32
    %dma_wait3A_416 = tpu.memref_slice %arg4[%add3A_412, %dma_wait3A_415] : memref<8192x1024xf32, #tpu.memory_space<hbm>> -> memref<16x1024xf32, #tpu.memory_space<hbm>>
    tpu.wait_dma2 semaphore(%arg21 : memref<!tpu.dma_semaphore, #tpu.memory_space<semaphore_mem>>) src(%arg9 : memref<16x1024xf32, #tpu.memory_space<vmem>>) dst(%dma_wait3A_416 : memref<16x1024xf32, #tpu.memory_space<hbm>>)
    return
  }
}

</mosaic_0001>

<sc_bundles>
// kernel: kernel.3.cloned.1.call-start
scs
__scs_entry_jumppad:
0x0: {  	(pc) =	sbr.rel $0x88, $3  }
0x1: {  	(tag) =	ssettag $0x0;
	lr =	simm.s32 $0x1  }
0x2: {  	[smem:$0x3F9F] =	sst lr;
	_ =	strace $0xD0000000  }
0x3: {  	_ = 	snop  }
0x4: {  	_ = 	snop  }
0x5: {  	_ = 	snop  }
0x6: {  	_ = 	snop  }
0x7: {  	_ = 	snop  }
__scs_overlays_trampoline_lowered:
0x8: {  	[smem:$0x3FAE] =	sst s0  }
0x9: {  	[smem:$0x3FAF] =	sst s1  }
0xa: {  	[smem:$0x3FB0] =	sst s2  }
0xb: {  	[smem:$0x3FB1] =	sst s3  }
0xc: {  	[smem:$0x3FB2] =	sst s4  }
0xd: {  	[smem:$0x3FB3] =	sst s5  }
0xe: {  	[smem:$0x3FB4] =	sst s6  }
0xf: {  	[smem:$0x3FB5] =	sst s7  }
0x10: {  	[smem:$0x3FB6] =	sst s8  }
0x11: {  	[smem:$0x3FB7] =	sst s9;
	s0 =	simm.s32 @!p0 $0x0  }
0x12: {  	s1 =	sld [smem:$0x3F9D];
	s0 =	simm.s32 @p0 $0x1  }
0x13: {  	[smem:$0x3FB8] =	sst s0;
	s0 =	simm.s32 @!p1 $0x0  }
0x14: {  	s2 =	sld [smem:$0x3F9C];
	s0 =	simm.s32 @p1 $0x1  }
0x15: {  	[smem:$0x3FB9] =	sst s0;
	s0 =	simm.s32 @!p2 $0x0  }
0x16: {  	s3 =	sld [smem:$0x3FDB];
	s0 =	simm.s32 @p2 $0x1  }
0x17: {  	s4 =	simm.s32 $0x1BF5;
	[smem:$0x3FBB] =	sst s0  }
0x18: {  	s0 =	sld [smem:$0x3F9E];
	_ =	swait.ge [sflag:s4], $0x0  }
0x19: {  	s7 =	sld [smem:$0x3F9F]  }
0x1a: {  	s8 =	sadd.s32 $0xFFFFE003, lr  }
0x1b: {  	s9 =	sadd.s32 $0xFFFFFEF7, lr;
	s5 =	simm.s32 $0xFFFFFFFF;
	p2 =	slt.u32 s8, $0xFFFFF086  }
0x1c: {  	p1 =	slt.u32 s9, $0xF7A;
	s5 =	simm.s32 @!p2 $0x0  }
0x1d: {  	s5 =	simm.s32 @p1 $0x1;
	p0 =	seq.s32 s7, s2  }
0x1e: {  	s7 =	smul.u32 @!p0 $0xF7A, s2;
	p2 =	seq.s32 @!p0 s5, $0x0  }
0x1f: {  	s9 =	smul.u32 $0xF7A, s1;
	s8 =	simm.s32 @!p0 $0x1BF5;
	p2 =	por !p2, p0  }
0x20: {  	[sflag:s8] =	ssyncset.s32 @!p0 $0xFFFFF086;
	s6 =	sadd.s32 @!p0 s3, s7;
	s7 =	simm.s32 @!p0 $0x108  }
0x21: {  	s3 =	sadd.s32 s3, s9;
	s6 =	sadd.s32 @!p0 $0x88, s6;
	s7 =	simm.s32 @p2 $0x1082  }
0x22: {  	[simem:s7], [sflag:s8] =	dma.local @!p0 [hbm:s6], $0xF7A  }
0x23: {  	s9 =	sor.u32 $0xD0000000, s2;
	s6 =	simm.s32 $0x108;
	_ =	swait.ge @!p0 [sflag:s8], $0x0  }
0x24: {  	s3 =	sadd.s32 $0x88, s3;
	s6 =	simm.s32 @!p1 $0x1082;
	[sflag:s4] =	ssyncset.s32 $0xFFFFF086  }
0x25: {  	[simem:s6], [sflag:s4] =	dma.local [hbm:s3], $0xF7A  }
0x26: {  	[smem:$0x3F9F] =	sst s1;
	(tag) =	ssettag s2;
	_ =	strace s9  }
0x27: {  	s1 =	sld [smem:$0x3FAF]  }
0x28: {  	s2 =	sld [smem:$0x3FB0]  }
0x29: {  	s4 =	sld [smem:$0x3FB2]  }
0x2a: {  	p0 =	seq.s32 s5, $0x0;
	s5 =	sld [smem:$0x3FB3]  }
0x2b: {  	s6 =	sld [smem:$0x3FB4]  }
0x2c: {  	s7 =	sld [smem:$0x3FB5]  }
0x2d: {  	s3 =	simm.s32 $0x108;
	s8 =	sld [smem:$0x3FB6]  }
0x2e: {  	s3 =	simm.s32 @!p0 $0x1082;
	s9 =	sld [smem:$0x3FB7]  }
0x2f: {  	lr =	sadd.s32 s0, s3;
	s0 =	sld [smem:$0x3FAE]  }
0x30: {  	s3 =	sld [smem:$0x3FB1]  }
0x31: {  	[smem:$0x3FBA] =	sst s10  }
0x32: {  	s10 =	sld [smem:$0x3FB8];
	_ =	sdelay $0x3  }
0x33: {  	p0 =	seq.s32 s10, $0x1;
	s10 =	sld [smem:$0x3FBA];
	_ =	sdelay $0x3  }
0x34: {  	[smem:$0x3FBA] =	sst s10  }
0x35: {  	s10 =	sld [smem:$0x3FB9];
	_ =	sdelay $0x3  }
0x36: {  	p1 =	seq.s32 s10, $0x1;
	s10 =	sld [smem:$0x3FBA];
	_ =	sdelay $0x3  }
0x37: {  	[smem:$0x3FBA] =	sst s10  }
0x38: {  	s10 =	sld [smem:$0x3FBB]  }
0x39: {  	_ = 	snop;
	(pc) =	sbr.ind lr, $3  }
0x3a: {  	_ = 	snop  }
0x3b: {  	_ = 	snop  }
0x3c: {  	p2 =	seq.s32 s10, $0x1;
	s10 =	sld [smem:$0x3FBA]  }
0x3d: {  	_ =	shalt  }
0x3e: {  	_ =	shalt  }
0x3f: {  	_ =	shalt  }
0x40: {  	_ =	shalt  }
0x41: {  	_ =	shalt  }
0x42: {  	_ =	shalt  }
0x43: {  	_ =	shalt  }
0x44: {  	_ =	shalt  }
0x45: {  	_ =	shalt  }
0x46: {  	_ =	shalt  }
0x47: {  	_ =	shalt  }
0x48: {  	_ =	shalt  }
0x49: {  	_ =	shalt  }
0x4a: {  	_ =	shalt  }
0x4b: {  	_ =	shalt  }
0x4c: {  	_ =	shalt  }
0x4d: {  	_ =	shalt  }
0x4e: {  	_ =	shalt  }
0x4f: {  	_ =	shalt  }
0x50: {  	_ =	shalt  }
0x51: {  	_ =	shalt  }
0x52: {  	_ =	shalt  }
0x53: {  	_ =	shalt  }
0x54: {  	_ =	shalt  }
0x55: {  	_ =	shalt  }
0x56: {  	_ =	shalt  }
0x57: {  	_ =	shalt  }
0x58: {  	_ =	shalt  }
0x59: {  	_ =	shalt  }
0x5a: {  	_ =	shalt  }
0x5b: {  	_ =	shalt  }
0x5c: {  	_ =	shalt  }
0x5d: {  	_ =	shalt  }
0x5e: {  	_ =	shalt  }
0x5f: {  	_ =	shalt  }
0x60: {  	_ =	shalt  }
0x61: {  	_ =	shalt  }
0x62: {  	_ =	shalt  }
0x63: {  	_ =	shalt  }
0x64: {  	_ =	shalt  }
0x65: {  	_ =	shalt  }
0x66: {  	_ =	shalt  }
0x67: {  	_ =	shalt  }
0x68: {  	_ =	shalt  }
0x69: {  	_ =	shalt  }
0x6a: {  	_ =	shalt  }
0x6b: {  	_ =	shalt  }
0x6c: {  	_ =	shalt  }
0x6d: {  	_ =	shalt  }
0x6e: {  	_ =	shalt  }
0x6f: {  	_ =	shalt  }
0x70: {  	_ =	shalt  }
0x71: {  	_ =	shalt  }
0x72: {  	_ =	shalt  }
0x73: {  	_ =	shalt  }
0x74: {  	_ =	shalt  }
0x75: {  	_ =	shalt  }
0x76: {  	_ =	shalt  }
0x77: {  	_ =	shalt  }
0x78: {  	_ =	shalt  }
0x79: {  	_ =	shalt  }
0x7a: {  	_ =	shalt  }
0x7b: {  	_ =	shalt  }
0x7c: {  	_ =	shalt  }
0x7d: {  	_ =	shalt  }
0x7e: {  	_ =	shalt  }
0x7f: {  	_ =	shalt  }
0x80: {  	_ =	shalt  }
0x81: {  	_ =	shalt  }
0x82: {  	_ =	shalt  }
0x83: {  	_ =	shalt  }
0x84: {  	_ =	shalt  }
0x85: {  	_ =	shalt  }
0x86: {  	_ =	shalt  }
0x87: {  	_ =	shalt  }
.Lfunc_end0:
.L_simem_size_0:
called_computation_lowered:
.L_overlay_start_0:
0x88: {  	s2 =	sld [smem:$0x3FD9]  }
0x89: {  	s3 =	sld [smem:$0x3FFE];
	_ =	sdelay $0x1  }
0x8a: {  	s1 =	srdreg.scid  }
0x8b: {  	s0 =	sand.u32 $0x1, s1  }
0x8c: {  	s17 =	sshll.u32 s0, $0xA;
	s2 =	sadd.s32 s3, s2  }
0x8d: {  	s2 =	sadd.s32 s2, s17  }
0x8e: {  	[smem:$0x3FC6] =	sst s2  }
0x8f: {  	_ = 	snop  }
0x90: {  	s2 =	sld [smem:$0x3FC8]  }
0x91: {  	s18 =	sld [smem:$0x3FD0];
	(tm) =	ssettm $0x1  }
0x92: {  	s4 =	sld [smem:$0x3FFB];
	_ =	sdelay $0x3  }
0x93: {  	_ =	strace s4  }
0x94: {  	s4 =	sld [smem:$0x3FFC];
	_ =	sdelay $0x3  }
0x95: {  	_ =	strace s4  }
0x96: {  	s4 =	sld [smem:$0x3FFD];
	_ =	sdelay $0x3  }
0x97: {  	_ =	strace s4  }
0x98: {  	_ =	strace $0x8FFFFFFF  }
0x99: {  	s19 =	sld [smem:$0x3FDB];
	_ =	sdelay $0x1  }
0x9a: {  	s5 =	simm.s32 $_scs_section_size  }
0x9b: {  	s6 =	simm.s32 $_size__tile_overlayer_lowered;
	s7 =	simm.s32 $_tile_overlayer_lowered  }
0x9c: {  	s22 =	simm.s32 $0x1BFF;
	s21 =	sshll.u32 s7, $0x1;
	s4 =	sadd.s32 s5, s19  }
0x9d: {  	s8 =	simm.s32 $0x0;
	s20 =	sshll.u32 s6, $0x1;
	s6 =	sadd.s32 s21, s4  }
0x9e: {  	[timem:s8], [sflag:s22] =	dma.local [hbm:s6], s20  }
0x9f: {  	_ =	swait.ge [sflag:s22], s20  }
0xa0: {  	s5 =	ssub.s32 $0x0, s20;
	[sflag:s22] =	ssyncset.done $0x0  }
0xa1: {  	[sflag:s22] =	ssyncadd.s32 s5;
	_ =	sdelay $0x1  }
0xa2: {  	s23 =	simm.s32 $0x1B8B  }
0xa3: {  	_ =	swait.ge [sflag:s23], $0x1  }
0xa4: {  	[sflag:s23] =	ssyncset.done $0x0  }
0xa5: {  	s25 =	simm.s32 $0x1B8E;
	s24 =	sld [smem:$0x3FFE];
	[sflag:s23] =	ssyncadd.s32 $0xFFFFFFFF  }
0xa6: {  	s26 =	simm.s32 $execute0_lowered;
	[smem:$0x3FD2] =	sst s25  }
0xa7: {  	s6 =	sshll.u32 s26, $0x1;
	_ =	strace $0x80000046;
	[dreg:$0x1] =	wrdreg $0xFFFFFFFF  }
0xa8: {  	s28 =	simm.s32 $_size_execute0_lowered;
	s4 =	sadd.s32 s4, s6;
	[dreg:$0x0] =	wrdreg $0x0  }
0xa9: {  	s6 =	sshll.u32 s28, $0x1;
	[dreg:$0x2] =	wrdreg s4  }
0xaa: {  	[dreg:$0x3] =	wrdreg s6  }
0xab: {  	[dreg:$0x4] =	wrdreg $0xC0  }
0xac: {  	_ =	task [dreg:s8], $0x5FFFF  }
0xad: {  	[dreg:$0x1] =	wrdreg $0xFFFFFFFF  }
0xae: {  	[dreg:$0x0] =	wrdreg $0x60  }
0xaf: {  	[dreg:$0x2] =	wrdreg s2  }
0xb0: {  	[dreg:$0x3] =	wrdreg s24  }
0xb1: {  	[dreg:$0x4] =	wrdreg s18  }
0xb2: {  	[dreg:$0x5] =	wrdreg $0x9  }
0xb3: {  	_ =	task.clear_ibuf [dreg:s8], $0x6FFFF;
	_ =	strace $0x90000046  }
0xb4: {  	s29 =	simm.s32 $0x9;
	_ =	strace $0x80000048  }
0xb5: {  	_ =	swait.ge [sflag:s29], $0x1  }
0xb6: {  	[sflag:s29] =	ssyncadd.s32 $0xFFFFFFFF  }
0xb7: {  	_ =	strace $0x90000048  }
0xb8: {  	_ =	sfence  }
0xb9: {  	s30 =	sld [smem:$0x0];
	_ =	sdelay $0x2  }
0xba: {  	s31 =	sshll.u32 s1, $0xD;
	s1 =	sshrl.u32 s1, $0x2  }
0xbb: {  	s3 =	sand.u32 $0x4000, s31;
	s1 =	sadd.s32 s1, s30  }
0xbc: {  	s0 =	sor.u32 s3, s0;
	s1 =	sshll.u32 s1, $0x11  }
0xbd: {  	s0 =	sor.u32 s1, s0  }
0xbe: {  	s0 =	sadd.s32 $0x8F2B, s0  }
0xbf: {  	[sflag:s0] =	ssyncadd.remote.s32 $0x1  }
0xc0: {  	_ =	sfence.sel $0xFFFF  }
0xc1: {  	[dreg:$0x0] =	wrdreg $0xFFFFFFFF;
	(pc) =	sbr.abs _section_cstart, $3  }
0xc2: {  	[dreg:$0x1] =	wrdreg $0xFFFFFFFF  }
0xc3: {  	_ =	task.clear_ibuf [dreg:s8], $0x2FFFF;
	_ =	strace $0x9FFFFFFF  }
0xc4: {  	(tm) =	ssettm $0x7FFFFFFF  }
0xc5: {  	_ =	shalt  }
tec
execute0_lowered:
.L_overlay_start_1:
0x0: {  	(tag) =	ssettag $0x1  }
0x1: {  	s1 =	rddreg [dreg:$0x0]  }
0x2: {  	s0 =	srdreg.scid;
	s3 =	stileid.u32  }
0x3: {  	s2 =	rddreg [dreg:$0x1];
	s0 =	sand.u32 $0x1, s0;
	s3 =	sshll.u32 s3, $0x1  }
0x4: {  	s4 =	rddreg [dreg:$0x2];
	s5 =	sor.u32 s0, s3  }
0x5: {  	s3 =	simm.s32 $0x0;
	s6 =	sshll.u32 s5, $0x8;
	s5 =	sshll.u32 s5, $0xF  }
0x6: {  	[smem:$0x7FF] =	sst s3;
	s2 =	sadd.s32 s6, s2;
	s8 =	sadd.s32 s4, s5  }
0x7: {  	_ =	strace $0x80000047;
	s2 =	sadd.s32 $0x400, s2;
	[dreg:$0x14] =	wrdreg s8  }
0x8: {  	s11 =	sadd.s32 $0x800, s8;
	[dreg:$0x4] =	wrdreg s2  }
0x9: {  	s12 =	sadd.s32 $0x1000, s8;
	[dreg:$0x5] =	wrdreg s11  }
0xa: {  	s30 =	simm.s32 $0x1;
	s13 =	sadd.s32 $0x1800, s8;
	[dreg:$0x6] =	wrdreg s12  }
0xb: {  	s29 =	simm.s32 $0x8;
	s14 =	sadd.s32 $0x2000, s8;
	[dreg:$0x7] =	wrdreg s13  }
0xc: {  	s31 =	simm.s32 $0x9;
	s15 =	sadd.s32 $0x2800, s8;
	[dreg:$0x8] =	wrdreg s14  }
0xd: {  	s28 =	simm.s32 $0x8800;
	s16 =	sadd.s32 $0x3000, s8;
	[dreg:$0x9] =	wrdreg s15  }
0xe: {  	s10 =	simm.s32 $0xC800;
	s17 =	sadd.s32 $0x3800, s8;
	[dreg:$0xa] =	wrdreg s16  }
0xf: {  	s7 =	sadd.s32 $0x300, s1;
	s18 =	sadd.s32 $0x4000, s8;
	[dreg:$0xb] =	wrdreg s17  }
0x10: {  	s0 =	ssub.s32 $0x2, s0;
	s19 =	sadd.s32 $0x4800, s8;
	[dreg:$0xc] =	wrdreg s18  }
0x11: {  	s21 =	sshrl.u32 s0, $0x1;
	s20 =	sadd.s32 $0x5000, s8;
	[dreg:$0xd] =	wrdreg s19  }
0x12: {  	s0 =	ssub.s32 s0, s21;
	s22 =	sadd.s32 $0x5800, s8;
	[dreg:$0xe] =	wrdreg s20  }
0x13: {  	s5 =	sadd.s32 $0x100, s1;
	s23 =	sadd.s32 $0x6000, s8;
	[dreg:$0xf] =	wrdreg s22  }
0x14: {  	s6 =	sadd.s32 $0x200, s1;
	s24 =	sadd.s32 $0x6800, s8;
	[dreg:$0x10] =	wrdreg s23  }
0x15: {  	s21 =	simm.s32 $0x14800;
	s25 =	sadd.s32 $0x7000, s8;
	[dreg:$0x11] =	wrdreg s24  }
0x16: {  	s26 =	sadd.s32 $0x7800, s8;
	s8 =	smax.u32 s0, $0x1;
	[dreg:$0x12] =	wrdreg s25  }
0x17: {  	[dreg:$0x13] =	wrdreg s26;
	s20 =	simm.s32 $0x2;
	s22 =	simm.s32 $0x3  }
0x18: {  	s24 =	simm.s32 $0x4;
	s25 =	simm.s32 $0x7;
	s2 =	simm.s32 $0xA  }
0x19: {  	v2 =	vlaneseq.u32;
	s18 =	simm.s32 $0x800;
	s26 =	simm.s32 $0x4800;
	s11 =	simm.s32 $0x10800  }
0x1a: {  	vm0 =	vmmov $0xffff;
	v1 =	vshrl.u32 v2, $0x3;
	s23 =	simm.s32 $0x11000;
	s14 =	simm.s32 $0x12000;
	s15 =	simm.s32 $0x12800  }
0x1b: {  	v0 =	vand.u32 $0x7, v2;
	v2 =	vor.u32 $0x8, v2;
	v1 =	vmul.u32 $0x8, v1;
	s16 =	simm.s32 $0x13000;
	s17 =	simm.s32 $0x13800;
	s19 =	simm.s32 $0x14000  }
.LBB2_1:
0x1c: {  	s12 =	rddreg [dreg:$0x4];
	s9 =	simm.s32 $0xD  }
0x1d: {  	[tilespmem:s3], [sflag:$0xD] =	stream.linear.gather [hbm4b:s12+s3], $0x800, $0x38;
	[tilespmem:$0x18800] =	vst v63  }
0x1e: {  	_ =	swait.ge [sflag:s9], $0x800  }
0x1f: {  	[sflag:s9] =	ssyncset.done $0x0  }
0x20: {  	[sflag:s9] =	ssyncadd.s32 $0xFFFFF800  }
0x21: {  	v3 =	vld [tilespmem:$0x0];
	_ =	sdelay $0x4  }
0x22: {  	v4 =	vshll.u32 v3, $0x3  }
0x23: {  	v3 =	vand.u32 $0x7, v3;
	v4 =	vand.u32 $0xFFFFFFC0, v4  }
0x24: {  	v3 =	vor.u32 v3, v4  }
0x25: {  	v4 =	vperm.xlane v3, v0;
	_ =	sdelay $0x1  }
0x26: {  	v4 =	vadd.s32 v1, v4;
	_ =	sdelay $0x4  }
0x27: {  	[tilespmem:s18], [sflag:$0x1] =	stream.indirect_vreg.gather [hbm4b:s1+s3], $0x80, v4, vm0, $0xb8;
	[tilespmem:$0x18800] =	vst v63  }
0x28: {  	s0 =	simm.s32 $0x1000;
	v3 =	vperm.xlane v3, v2  }
0x29: {  	[tilespmem:s0], [sflag:$0x1] =	stream.indirect_vreg.gather [hbm4b:s5+s3], $0x80, v4, vm0, $0xb8;
	[tilespmem:$0x18800] =	vst v63  }
0x2a: {  	s12 =	simm.s32 $0x1800;
	v3 =	vadd.s32 v1, v3  }
0x2b: {  	[tilespmem:s12], [sflag:$0x1] =	stream.indirect_vreg.gather [hbm4b:s6+s3], $0x80, v4, vm0, $0xb8;
	[tilespmem:$0x18800] =	vst v63  }
0x2c: {  	s13 =	simm.s32 $0x2000  }
0x2d: {  	[tilespmem:s13], [sflag:$0x1] =	stream.indirect_vreg.gather [hbm4b:s7+s3], $0x80, v4, vm0, $0xb8;
	[tilespmem:$0x18800] =	vst v63  }
0x2e: {  	s9 =	simm.s32 $0x2800  }
0x2f: {  	[tilespmem:s9], [sflag:$0x1] =	stream.indirect_vreg.gather [hbm4b:s1+s3], $0x80, v3, vm0, $0xb8;
	[tilespmem:$0x18800] =	vst v63  }
0x30: {  	s12 =	simm.s32 $0x3000  }
0x31: {  	[tilespmem:s12], [sflag:$0x1] =	stream.indirect_vreg.gather [hbm4b:s5+s3], $0x80, v3, vm0, $0xb8;
	[tilespmem:$0x18800] =	vst v63  }
0x32: {  	s13 =	simm.s32 $0x3800  }
0x33: {  	[tilespmem:s13], [sflag:$0x1] =	stream.indirect_vreg.gather [hbm4b:s6+s3], $0x80, v3, vm0, $0xb8;
	[tilespmem:$0x18800] =	vst v63  }
0x34: {  	s9 =	simm.s32 $0x4000  }
0x35: {  	[tilespmem:s9], [sflag:$0x1] =	stream.indirect_vreg.gather [hbm4b:s7+s3], $0x80, v3, vm0, $0xb8;
	[tilespmem:$0x18800] =	vst v63  }
0x36: {  	v3 =	vld [tilespmem:$0x80];
	_ =	sdelay $0x4  }
0x37: {  	v49 =	vshll.u32 v3, $0x3  }
0x38: {  	v3 =	vand.u32 $0x7, v3;
	v4 =	vand.u32 $0xFFFFFFC0, v49  }
0x39: {  	v3 =	vor.u32 v3, v4  }
0x3a: {  	v4 =	vperm.xlane v3, v0;
	_ =	sdelay $0x1  }
0x3b: {  	v4 =	vadd.s32 v1, v4;
	_ =	sdelay $0x4  }
0x3c: {  	[tilespmem:s26], [sflag:$0x2] =	stream.indirect_vreg.gather [hbm4b:s1+s3], $0x80, v4, vm0, $0xb8;
	[tilespmem:$0x18800] =	vst v63  }
0x3d: {  	s12 =	simm.s32 $0x5000;
	v3 =	vperm.xlane v3, v2  }
0x3e: {  	[tilespmem:s12], [sflag:$0x2] =	stream.indirect_vreg.gather [hbm4b:s5+s3], $0x80, v4, vm0, $0xb8;
	[tilespmem:$0x18800] =	vst v63  }
0x3f: {  	s13 =	simm.s32 $0x5800;
	v3 =	vadd.s32 v1, v3  }
0x40: {  	[tilespmem:s13], [sflag:$0x2] =	stream.indirect_vreg.gather [hbm4b:s6+s3], $0x80, v4, vm0, $0xb8;
	[tilespmem:$0x18800] =	vst v63  }
0x41: {  	s12 =	simm.s32 $0x6000  }
0x42: {  	[tilespmem:s12], [sflag:$0x2] =	stream.indirect_vreg.gather [hbm4b:s7+s3], $0x80, v4, vm0, $0xb8;
	[tilespmem:$0x18800] =	vst v63  }
0x43: {  	s13 =	simm.s32 $0x6800  }
0x44: {  	[tilespmem:s13], [sflag:$0x2] =	stream.indirect_vreg.gather [hbm4b:s1+s3], $0x80, v3, vm0, $0xb8;
	[tilespmem:$0x18800] =	vst v63  }
0x45: {  	s12 =	simm.s32 $0x7000  }
0x46: {  	[tilespmem:s12], [sflag:$0x2] =	stream.indirect_vreg.gather [hbm4b:s5+s3], $0x80, v3, vm0, $0xb8;
	[tilespmem:$0x18800] =	vst v63  }
0x47: {  	s13 =	simm.s32 $0x7800  }
0x48: {  	[tilespmem:s13], [sflag:$0x2] =	stream.indirect_vreg.gather [hbm4b:s6+s3], $0x80, v3, vm0, $0xb8;
	[tilespmem:$0x18800] =	vst v63  }
0x49: {  	s12 =	simm.s32 $0x8000  }
0x4a: {  	[tilespmem:s12], [sflag:$0x2] =	stream.indirect_vreg.gather [hbm4b:s7+s3], $0x80, v3, vm0, $0xb8;
	[tilespmem:$0x18800] =	vst v63  }
0x4b: {  	v3 =	vld [tilespmem:$0x100];
	_ =	sdelay $0x4  }
0x4c: {  	v50 =	vshll.u32 v3, $0x3  }
0x4d: {  	v3 =	vand.u32 $0x7, v3;
	v4 =	vand.u32 $0xFFFFFFC0, v50  }
0x4e: {  	v3 =	vor.u32 v3, v4  }
0x4f: {  	v4 =	vperm.xlane v3, v0;
	_ =	sdelay $0x1  }
0x50: {  	v4 =	vadd.s32 v1, v4;
	_ =	sdelay $0x4  }
0x51: {  	[tilespmem:s28], [sflag:$0x3] =	stream.indirect_vreg.gather [hbm4b:s1+s3], $0x80, v4, vm0, $0xb8;
	[tilespmem:$0x18800] =	vst v63  }
0x52: {  	s13 =	simm.s32 $0x9000;
	v3 =	vperm.xlane v3, v2  }
0x53: {  	[tilespmem:s13], [sflag:$0x3] =	stream.indirect_vreg.gather [hbm4b:s5+s3], $0x80, v4, vm0, $0xb8;
	[tilespmem:$0x18800] =	vst v63  }
0x54: {  	s12 =	simm.s32 $0x9800;
	v3 =	vadd.s32 v1, v3  }
0x55: {  	[tilespmem:s12], [sflag:$0x3] =	stream.indirect_vreg.gather [hbm4b:s6+s3], $0x80, v4, vm0, $0xb8;
	[tilespmem:$0x18800] =	vst v63  }
0x56: {  	s13 =	simm.s32 $0xA000  }
0x57: {  	[tilespmem:s13], [sflag:$0x3] =	stream.indirect_vreg.gather [hbm4b:s7+s3], $0x80, v4, vm0, $0xb8;
	[tilespmem:$0x18800] =	vst v63  }
0x58: {  	s12 =	simm.s32 $0xA800  }
0x59: {  	[tilespmem:s12], [sflag:$0x3] =	stream.indirect_vreg.gather [hbm4b:s1+s3], $0x80, v3, vm0, $0xb8;
	[tilespmem:$0x18800] =	vst v63  }
0x5a: {  	s13 =	simm.s32 $0xB000  }
0x5b: {  	[tilespmem:s13], [sflag:$0x3] =	stream.indirect_vreg.gather [hbm4b:s5+s3], $0x80, v3, vm0, $0xb8;
	[tilespmem:$0x18800] =	vst v63  }
0x5c: {  	s12 =	simm.s32 $0xB800  }
0x5d: {  	[tilespmem:s12], [sflag:$0x3] =	stream.indirect_vreg.gather [hbm4b:s6+s3], $0x80, v3, vm0, $0xb8;
	[tilespmem:$0x18800] =	vst v63  }
0x5e: {  	s13 =	simm.s32 $0xC000  }
0x5f: {  	[tilespmem:s13], [sflag:$0x3] =	stream.indirect_vreg.gather [hbm4b:s7+s3], $0x80, v3, vm0, $0xb8;
	[tilespmem:$0x18800] =	vst v63  }
0x60: {  	_ =	swait.ge [sflag:s30], $0x4000  }
0x61: {  	[sflag:s30] =	ssyncset.done $0x0  }
0x62: {  	s0 =	rddreg [dreg:$0x14];
	[sflag:s30] =	ssyncadd.s32 $0xFFFFC000  }
0x63: {  	[hbm4b:s0+s3] =	stream.linear.scatter [tilespmem:s18], [sflag:$0x7], $0x4000, $0x38;
	[tilespmem:$0x18800] =	vst v63  }
0x64: {  	v3 =	vld [tilespmem:$0x180];
	_ =	sdelay $0x4  }
0x65: {  	v51 =	vshll.u32 v3, $0x3  }
0x66: {  	v3 =	vand.u32 $0x7, v3;
	v4 =	vand.u32 $0xFFFFFFC0, v51  }
0x67: {  	v3 =	vor.u32 v3, v4  }
0x68: {  	v4 =	vperm.xlane v3, v0;
	_ =	sdelay $0x1  }
0x69: {  	v4 =	vadd.s32 v1, v4;
	_ =	sdelay $0x4  }
0x6a: {  	[tilespmem:s10], [sflag:$0x4] =	stream.indirect_vreg.gather [hbm4b:s1+s3], $0x80, v4, vm0, $0xb8;
	[tilespmem:$0x18800] =	vst v63  }
0x6b: {  	s12 =	simm.s32 $0xD000;
	v3 =	vperm.xlane v3, v2  }
0x6c: {  	[tilespmem:s12], [sflag:$0x4] =	stream.indirect_vreg.gather [hbm4b:s5+s3], $0x80, v4, vm0, $0xb8;
	[tilespmem:$0x18800] =	vst v63  }
0x6d: {  	s13 =	simm.s32 $0xD800;
	v3 =	vadd.s32 v1, v3  }
0x6e: {  	[tilespmem:s13], [sflag:$0x4] =	stream.indirect_vreg.gather [hbm4b:s6+s3], $0x80, v4, vm0, $0xb8;
	[tilespmem:$0x18800] =	vst v63  }
0x6f: {  	s12 =	simm.s32 $0xE000  }
0x70: {  	[tilespmem:s12], [sflag:$0x4] =	stream.indirect_vreg.gather [hbm4b:s7+s3], $0x80, v4, vm0, $0xb8;
	[tilespmem:$0x18800] =	vst v63  }
0x71: {  	s13 =	simm.s32 $0xE800  }
0x72: {  	[tilespmem:s13], [sflag:$0x4] =	stream.indirect_vreg.gather [hbm4b:s1+s3], $0x80, v3, vm0, $0xb8;
	[tilespmem:$0x18800] =	vst v63  }
0x73: {  	s12 =	simm.s32 $0xF000  }
0x74: {  	[tilespmem:s12], [sflag:$0x4] =	stream.indirect_vreg.gather [hbm4b:s5+s3], $0x80, v3, vm0, $0xb8;
	[tilespmem:$0x18800] =	vst v63  }
0x75: {  	s13 =	simm.s32 $0xF800  }
0x76: {  	[tilespmem:s13], [sflag:$0x4] =	stream.indirect_vreg.gather [hbm4b:s6+s3], $0x80, v3, vm0, $0xb8;
	[tilespmem:$0x18800] =	vst v63  }
0x77: {  	s12 =	simm.s32 $0x10000  }
0x78: {  	[tilespmem:s12], [sflag:$0x4] =	stream.indirect_vreg.gather [hbm4b:s7+s3], $0x80, v3, vm0, $0xb8;
	[tilespmem:$0x18800] =	vst v63  }
0x79: {  	_ =	swait.ge [sflag:s20], $0x4000  }
0x7a: {  	[sflag:s20] =	ssyncset.done $0x0  }
0x7b: {  	s13 =	rddreg [dreg:$0x5];
	[sflag:s20] =	ssyncadd.s32 $0xFFFFC000  }
0x7c: {  	[hbm4b:s13+s3] =	stream.linear.scatter [tilespmem:s26], [sflag:$0x8], $0x4000, $0x38;
	[tilespmem:$0x18800] =	vst v63  }
0x7d: {  	v3 =	vld [tilespmem:$0x200];
	_ =	sdelay $0x4  }
0x7e: {  	v52 =	vshll.u32 v3, $0x3  }
0x7f: {  	v3 =	vand.u32 $0x7, v3;
	v4 =	vand.u32 $0xFFFFFFC0, v52  }
0x80: {  	v3 =	vor.u32 v3, v4  }
0x81: {  	v4 =	vperm.xlane v3, v0;
	_ =	sdelay $0x1  }
0x82: {  	v4 =	vadd.s32 v1, v4;
	_ =	sdelay $0x4  }
0x83: {  	[tilespmem:s11], [sflag:$0x5] =	stream.indirect_vreg.gather [hbm4b:s1+s3], $0x80, v4, vm0, $0xb8;
	[tilespmem:$0x18800] =	vst v63  }
0x84: {  	v3 =	vperm.xlane v3, v2  }
0x85: {  	[tilespmem:s23], [sflag:$0x5] =	stream.indirect_vreg.gather [hbm4b:s5+s3], $0x80, v4, vm0, $0xb8;
	[tilespmem:$0x18800] =	vst v63  }
0x86: {  	s13 =	simm.s32 $0x11800;
	v3 =	vadd.s32 v1, v3  }
0x87: {  	[tilespmem:s13], [sflag:$0x5] =	stream.indirect_vreg.gather [hbm4b:s6+s3], $0x80, v4, vm0, $0xb8;
	[tilespmem:$0x18800] =	vst v63  }
0x88: {  	_ = 	snop  }
0x89: {  	[tilespmem:s14], [sflag:$0x5] =	stream.indirect_vreg.gather [hbm4b:s7+s3], $0x80, v4, vm0, $0xb8;
	[tilespmem:$0x18800] =	vst v63  }
0x8a: {  	_ = 	snop  }
0x8b: {  	[tilespmem:s15], [sflag:$0x5] =	stream.indirect_vreg.gather [hbm4b:s1+s3], $0x80, v3, vm0, $0xb8;
	[tilespmem:$0x18800] =	vst v63  }
0x8c: {  	_ = 	snop  }
0x8d: {  	[tilespmem:s16], [sflag:$0x5] =	stream.indirect_vreg.gather [hbm4b:s5+s3], $0x80, v3, vm0, $0xb8;
	[tilespmem:$0x18800] =	vst v63  }
0x8e: {  	_ = 	snop  }
0x8f: {  	[tilespmem:s17], [sflag:$0x5] =	stream.indirect_vreg.gather [hbm4b:s6+s3], $0x80, v3, vm0, $0xb8;
	[tilespmem:$0x18800] =	vst v63  }
0x90: {  	_ = 	snop  }
0x91: {  	[tilespmem:s19], [sflag:$0x5] =	stream.indirect_vreg.gather [hbm4b:s7+s3], $0x80, v3, vm0, $0xb8;
	[tilespmem:$0x18800] =	vst v63  }
0x92: {  	_ =	swait.ge [sflag:s22], $0x4000  }
0x93: {  	[sflag:s22] =	ssyncset.done $0x0  }
0x94: {  	s0 =	rddreg [dreg:$0x6];
	[sflag:s22] =	ssyncadd.s32 $0xFFFFC000  }
0x95: {  	[hbm4b:s0+s3] =	stream.linear.scatter [tilespmem:s28], [sflag:$0x9], $0x4000, $0x38;
	[tilespmem:$0x18800] =	vst v63  }
0x96: {  	v3 =	vld [tilespmem:$0x280];
	_ =	sdelay $0x4  }
0x97: {  	v53 =	vshll.u32 v3, $0x3  }
0x98: {  	v3 =	vand.u32 $0x7, v3;
	v4 =	vand.u32 $0xFFFFFFC0, v53  }
0x99: {  	v3 =	vor.u32 v3, v4  }
0x9a: {  	v4 =	vperm.xlane v3, v0;
	_ =	sdelay $0x1  }
0x9b: {  	v4 =	vadd.s32 v1, v4;
	_ =	sdelay $0x4  }
0x9c: {  	[tilespmem:s21], [sflag:$0x6] =	stream.indirect_vreg.gather [hbm4b:s1+s3], $0x80, v4, vm0, $0xb8;
	[tilespmem:$0x18800] =	vst v63  }
0x9d: {  	s12 =	simm.s32 $0x15000;
	v3 =	vperm.xlane v3, v2  }
0x9e: {  	[tilespmem:s12], [sflag:$0x6] =	stream.indirect_vreg.gather [hbm4b:s5+s3], $0x80, v4, vm0, $0xb8;
	[tilespmem:$0x18800] =	vst v63  }
0x9f: {  	v3 =	vadd.s32 v1, v3;
	s12 =	simm.s32 $0x15800  }
0xa0: {  	[tilespmem:s12], [sflag:$0x6] =	stream.indirect_vreg.gather [hbm4b:s6+s3], $0x80, v4, vm0, $0xb8;
	[tilespmem:$0x18800] =	vst v63  }
0xa1: {  	s12 =	simm.s32 $0x16000  }
0xa2: {  	[tilespmem:s12], [sflag:$0x6] =	stream.indirect_vreg.gather [hbm4b:s7+s3], $0x80, v4, vm0, $0xb8;
	[tilespmem:$0x18800] =	vst v63  }
0xa3: {  	s12 =	simm.s32 $0x16800  }
0xa4: {  	[tilespmem:s12], [sflag:$0x6] =	stream.indirect_vreg.gather [hbm4b:s1+s3], $0x80, v3, vm0, $0xb8;
	[tilespmem:$0x18800] =	vst v63  }
0xa5: {  	s12 =	simm.s32 $0x17000  }
0xa6: {  	[tilespmem:s12], [sflag:$0x6] =	stream.indirect_vreg.gather [hbm4b:s5+s3], $0x80, v3, vm0, $0xb8;
	[tilespmem:$0x18800] =	vst v63  }
0xa7: {  	s12 =	simm.s32 $0x17800  }
0xa8: {  	[tilespmem:s12], [sflag:$0x6] =	stream.indirect_vreg.gather [hbm4b:s6+s3], $0x80, v3, vm0, $0xb8;
	[tilespmem:$0x18800] =	vst v63  }
0xa9: {  	s12 =	simm.s32 $0x18000  }
0xaa: {  	[tilespmem:s12], [sflag:$0x6] =	stream.indirect_vreg.gather [hbm4b:s7+s3], $0x80, v3, vm0, $0xb8;
	[tilespmem:$0x18800] =	vst v63  }
0xab: {  	_ =	swait.ge [sflag:s24], $0x4000  }
0xac: {  	[sflag:s24] =	ssyncset.done $0x0  }
0xad: {  	s0 =	rddreg [dreg:$0x7];
	[sflag:s24] =	ssyncadd.s32 $0xFFFFC000  }
0xae: {  	[hbm4b:s0+s3] =	stream.linear.scatter [tilespmem:s10], [sflag:$0xA], $0x4000, $0x38;
	[tilespmem:$0x18800] =	vst v63  }
0xaf: {  	_ =	swait.ge [sflag:s25], $0x4000  }
0xb0: {  	[sflag:s25] =	ssyncset.done $0x0  }
0xb1: {  	[sflag:s25] =	ssyncadd.s32 $0xFFFFC000  }
0xb2: {  	v3 =	vld [tilespmem:$0x300];
	_ =	sdelay $0x4  }
0xb3: {  	v54 =	vshll.u32 v3, $0x3  }
0xb4: {  	v3 =	vand.u32 $0x7, v3;
	v4 =	vand.u32 $0xFFFFFFC0, v54  }
0xb5: {  	v3 =	vor.u32 v3, v4  }
0xb6: {  	v4 =	vperm.xlane v3, v0;
	_ =	sdelay $0x1  }
0xb7: {  	v4 =	vadd.s32 v1, v4;
	_ =	sdelay $0x4  }
0xb8: {  	[tilespmem:s18], [sflag:$0x1] =	stream.indirect_vreg.gather [hbm4b:s1+s3], $0x80, v4, vm0, $0xb8;
	[tilespmem:$0x18800] =	vst v63  }
0xb9: {  	s4 =	simm.s32 $0x1000;
	v3 =	vperm.xlane v3, v2  }
0xba: {  	[tilespmem:s4], [sflag:$0x1] =	stream.indirect_vreg.gather [hbm4b:s5+s3], $0x80, v4, vm0, $0xb8;
	[tilespmem:$0x18800] =	vst v63  }
0xbb: {  	v3 =	vadd.s32 v1, v3;
	s4 =	simm.s32 $0x1800  }
0xbc: {  	[tilespmem:s4], [sflag:$0x1] =	stream.indirect_vreg.gather [hbm4b:s6+s3], $0x80, v4, vm0, $0xb8;
	[tilespmem:$0x18800] =	vst v63  }
0xbd: {  	s12 =	simm.s32 $0x2000  }
0xbe: {  	[tilespmem:s12], [sflag:$0x1] =	stream.indirect_vreg.gather [hbm4b:s7+s3], $0x80, v4, vm0, $0xb8;
	[tilespmem:$0x18800] =	vst v63  }
0xbf: {  	s4 =	simm.s32 $0x2800  }
0xc0: {  	[tilespmem:s4], [sflag:$0x1] =	stream.indirect_vreg.gather [hbm4b:s1+s3], $0x80, v3, vm0, $0xb8;
	[tilespmem:$0x18800] =	vst v63  }
0xc1: {  	s12 =	simm.s32 $0x3000  }
0xc2: {  	[tilespmem:s12], [sflag:$0x1] =	stream.indirect_vreg.gather [hbm4b:s5+s3], $0x80, v3, vm0, $0xb8;
	[tilespmem:$0x18800] =	vst v63  }
0xc3: {  	s4 =	simm.s32 $0x3800  }
0xc4: {  	[tilespmem:s4], [sflag:$0x1] =	stream.indirect_vreg.gather [hbm4b:s6+s3], $0x80, v3, vm0, $0xb8;
	[tilespmem:$0x18800] =	vst v63  }
0xc5: {  	s9 =	simm.s32 $0x4000;
	s0 =	simm.s32 $0x5  }
0xc6: {  	[tilespmem:s9], [sflag:$0x1] =	stream.indirect_vreg.gather [hbm4b:s7+s3], $0x80, v3, vm0, $0xb8;
	[tilespmem:$0x18800] =	vst v63  }
0xc7: {  	_ =	swait.ge [sflag:s0], $0x4000  }
0xc8: {  	[sflag:s0] =	ssyncset.done $0x0  }
0xc9: {  	s9 =	rddreg [dreg:$0x8];
	[sflag:s0] =	ssyncadd.s32 $0xFFFFC000  }
0xca: {  	[hbm4b:s9+s3] =	stream.linear.scatter [tilespmem:s11], [sflag:$0xB], $0x4000, $0x38;
	[tilespmem:$0x18800] =	vst v63  }
0xcb: {  	_ =	swait.ge [sflag:s29], $0x4000  }
0xcc: {  	[sflag:s29] =	ssyncset.done $0x0  }
0xcd: {  	[sflag:s29] =	ssyncadd.s32 $0xFFFFC000  }
0xce: {  	v3 =	vld [tilespmem:$0x380];
	_ =	sdelay $0x4  }
0xcf: {  	v55 =	vshll.u32 v3, $0x3  }
0xd0: {  	v3 =	vand.u32 $0x7, v3;
	v4 =	vand.u32 $0xFFFFFFC0, v55  }
0xd1: {  	v3 =	vor.u32 v3, v4  }
0xd2: {  	v4 =	vperm.xlane v3, v0;
	_ =	sdelay $0x1  }
0xd3: {  	v4 =	vadd.s32 v1, v4;
	_ =	sdelay $0x4  }
0xd4: {  	[tilespmem:s26], [sflag:$0x2] =	stream.indirect_vreg.gather [hbm4b:s1+s3], $0x80, v4, vm0, $0xb8;
	[tilespmem:$0x18800] =	vst v63  }
0xd5: {  	s12 =	simm.s32 $0x5000;
	v3 =	vperm.xlane v3, v2  }
0xd6: {  	[tilespmem:s12], [sflag:$0x2] =	stream.indirect_vreg.gather [hbm4b:s5+s3], $0x80, v4, vm0, $0xb8;
	[tilespmem:$0x18800] =	vst v63  }
0xd7: {  	s9 =	simm.s32 $0x5800;
	v3 =	vadd.s32 v1, v3  }
0xd8: {  	[tilespmem:s9], [sflag:$0x2] =	stream.indirect_vreg.gather [hbm4b:s6+s3], $0x80, v4, vm0, $0xb8;
	[tilespmem:$0x18800] =	vst v63  }
0xd9: {  	s12 =	simm.s32 $0x6000  }
0xda: {  	[tilespmem:s12], [sflag:$0x2] =	stream.indirect_vreg.gather [hbm4b:s7+s3], $0x80, v4, vm0, $0xb8;
	[tilespmem:$0x18800] =	vst v63  }
0xdb: {  	s9 =	simm.s32 $0x6800  }
0xdc: {  	[tilespmem:s9], [sflag:$0x2] =	stream.indirect_vreg.gather [hbm4b:s1+s3], $0x80, v3, vm0, $0xb8;
	[tilespmem:$0x18800] =	vst v63  }
0xdd: {  	s12 =	simm.s32 $0x7000  }
0xde: {  	[tilespmem:s12], [sflag:$0x2] =	stream.indirect_vreg.gather [hbm4b:s5+s3], $0x80, v3, vm0, $0xb8;
	[tilespmem:$0x18800] =	vst v63  }
0xdf: {  	s9 =	simm.s32 $0x7800  }
0xe0: {  	[tilespmem:s9], [sflag:$0x2] =	stream.indirect_vreg.gather [hbm4b:s6+s3], $0x80, v3, vm0, $0xb8;
	[tilespmem:$0x18800] =	vst v63  }
0xe1: {  	s12 =	simm.s32 $0x8000;
	s9 =	simm.s32 $0x6  }
0xe2: {  	[tilespmem:s12], [sflag:$0x2] =	stream.indirect_vreg.gather [hbm4b:s7+s3], $0x80, v3, vm0, $0xb8;
	[tilespmem:$0x18800] =	vst v63  }
0xe3: {  	_ =	swait.ge [sflag:s9], $0x4000  }
0xe4: {  	[sflag:s9] =	ssyncset.done $0x0  }
0xe5: {  	s4 =	rddreg [dreg:$0x9];
	[sflag:s9] =	ssyncadd.s32 $0xFFFFC000  }
0xe6: {  	[hbm4b:s4+s3] =	stream.linear.scatter [tilespmem:s21], [sflag:$0xC], $0x4000, $0x38;
	[tilespmem:$0x18800] =	vst v63  }
0xe7: {  	_ =	swait.ge [sflag:s31], $0x4000  }
0xe8: {  	[sflag:s31] =	ssyncset.done $0x0  }
0xe9: {  	[sflag:s31] =	ssyncadd.s32 $0xFFFFC000  }
0xea: {  	v3 =	vld [tilespmem:$0x400];
	_ =	sdelay $0x4  }
0xeb: {  	v56 =	vshll.u32 v3, $0x3  }
0xec: {  	v3 =	vand.u32 $0x7, v3;
	v4 =	vand.u32 $0xFFFFFFC0, v56  }
0xed: {  	v3 =	vor.u32 v3, v4  }
0xee: {  	v4 =	vperm.xlane v3, v0;
	_ =	sdelay $0x1  }
0xef: {  	v4 =	vadd.s32 v1, v4;
	_ =	sdelay $0x4  }
0xf0: {  	[tilespmem:s28], [sflag:$0x3] =	stream.indirect_vreg.gather [hbm4b:s1+s3], $0x80, v4, vm0, $0xb8;
	[tilespmem:$0x18800] =	vst v63  }
0xf1: {  	s12 =	simm.s32 $0x9000;
	v3 =	vperm.xlane v3, v2  }
0xf2: {  	[tilespmem:s12], [sflag:$0x3] =	stream.indirect_vreg.gather [hbm4b:s5+s3], $0x80, v4, vm0, $0xb8;
	[tilespmem:$0x18800] =	vst v63  }
0xf3: {  	v3 =	vadd.s32 v1, v3;
	s12 =	simm.s32 $0x9800  }
0xf4: {  	[tilespmem:s12], [sflag:$0x3] =	stream.indirect_vreg.gather [hbm4b:s6+s3], $0x80, v4, vm0, $0xb8;
	[tilespmem:$0x18800] =	vst v63  }
0xf5: {  	s12 =	simm.s32 $0xA000  }
0xf6: {  	[tilespmem:s12], [sflag:$0x3] =	stream.indirect_vreg.gather [hbm4b:s7+s3], $0x80, v4, vm0, $0xb8;
	[tilespmem:$0x18800] =	vst v63  }
0xf7: {  	s12 =	simm.s32 $0xA800  }
0xf8: {  	[tilespmem:s12], [sflag:$0x3] =	stream.indirect_vreg.gather [hbm4b:s1+s3], $0x80, v3, vm0, $0xb8;
	[tilespmem:$0x18800] =	vst v63  }
0xf9: {  	s12 =	simm.s32 $0xB000  }
0xfa: {  	[tilespmem:s12], [sflag:$0x3] =	stream.indirect_vreg.gather [hbm4b:s5+s3], $0x80, v3, vm0, $0xb8;
	[tilespmem:$0x18800] =	vst v63  }
0xfb: {  	s12 =	simm.s32 $0xB800  }
0xfc: {  	[tilespmem:s12], [sflag:$0x3] =	stream.indirect_vreg.gather [hbm4b:s6+s3], $0x80, v3, vm0, $0xb8;
	[tilespmem:$0x18800] =	vst v63  }
0xfd: {  	s12 =	simm.s32 $0xC000  }
0xfe: {  	[tilespmem:s12], [sflag:$0x3] =	stream.indirect_vreg.gather [hbm4b:s7+s3], $0x80, v3, vm0, $0xb8;
	[tilespmem:$0x18800] =	vst v63  }
0xff: {  	_ =	swait.ge [sflag:s30], $0x4000  }
0x100: {  	[sflag:s30] =	ssyncset.done $0x0  }
0x101: {  	s4 =	rddreg [dreg:$0xa];
	[sflag:s30] =	ssyncadd.s32 $0xFFFFC000  }
0x102: {  	[hbm4b:s4+s3] =	stream.linear.scatter [tilespmem:s18], [sflag:$0x7], $0x4000, $0x38;
	[tilespmem:$0x18800] =	vst v63  }
0x103: {  	_ =	swait.ge [sflag:s2], $0x4000  }
0x104: {  	[sflag:s2] =	ssyncset.done $0x0  }
0x105: {  	[sflag:s2] =	ssyncadd.s32 $0xFFFFC000  }
0x106: {  	v3 =	vld [tilespmem:$0x480];
	_ =	sdelay $0x4  }
0x107: {  	v57 =	vshll.u32 v3, $0x3  }
0x108: {  	v3 =	vand.u32 $0x7, v3;
	v4 =	vand.u32 $0xFFFFFFC0, v57  }
0x109: {  	v3 =	vor.u32 v3, v4  }
0x10a: {  	v4 =	vperm.xlane v3, v0;
	_ =	sdelay $0x1  }
0x10b: {  	v4 =	vadd.s32 v1, v4;
	_ =	sdelay $0x4  }
0x10c: {  	[tilespmem:s10], [sflag:$0x4] =	stream.indirect_vreg.gather [hbm4b:s1+s3], $0x80, v4, vm0, $0xb8;
	[tilespmem:$0x18800] =	vst v63  }
0x10d: {  	s12 =	simm.s32 $0xD000;
	v3 =	vperm.xlane v3, v2  }
0x10e: {  	[tilespmem:s12], [sflag:$0x4] =	stream.indirect_vreg.gather [hbm4b:s5+s3], $0x80, v4, vm0, $0xb8;
	[tilespmem:$0x18800] =	vst v63  }
0x10f: {  	v3 =	vadd.s32 v1, v3;
	s12 =	simm.s32 $0xD800  }
0x110: {  	[tilespmem:s12], [sflag:$0x4] =	stream.indirect_vreg.gather [hbm4b:s6+s3], $0x80, v4, vm0, $0xb8;
	[tilespmem:$0x18800] =	vst v63  }
0x111: {  	s12 =	simm.s32 $0xE000  }
0x112: {  	[tilespmem:s12], [sflag:$0x4] =	stream.indirect_vreg.gather [hbm4b:s7+s3], $0x80, v4, vm0, $0xb8;
	[tilespmem:$0x18800] =	vst v63  }
0x113: {  	s12 =	simm.s32 $0xE800  }
0x114: {  	[tilespmem:s12], [sflag:$0x4] =	stream.indirect_vreg.gather [hbm4b:s1+s3], $0x80, v3, vm0, $0xb8;
	[tilespmem:$0x18800] =	vst v63  }
0x115: {  	s12 =	simm.s32 $0xF000  }
0x116: {  	[tilespmem:s12], [sflag:$0x4] =	stream.indirect_vreg.gather [hbm4b:s5+s3], $0x80, v3, vm0, $0xb8;
	[tilespmem:$0x18800] =	vst v63  }
0x117: {  	s12 =	simm.s32 $0xF800  }
0x118: {  	[tilespmem:s12], [sflag:$0x4] =	stream.indirect_vreg.gather [hbm4b:s6+s3], $0x80, v3, vm0, $0xb8;
	[tilespmem:$0x18800] =	vst v63  }
0x119: {  	s12 =	simm.s32 $0x10000  }
0x11a: {  	[tilespmem:s12], [sflag:$0x4] =	stream.indirect_vreg.gather [hbm4b:s7+s3], $0x80, v3, vm0, $0xb8;
	[tilespmem:$0x18800] =	vst v63  }
0x11b: {  	_ =	swait.ge [sflag:s20], $0x4000  }
0x11c: {  	[sflag:s20] =	ssyncset.done $0x0  }
0x11d: {  	s4 =	rddreg [dreg:$0xb];
	[sflag:s20] =	ssyncadd.s32 $0xFFFFC000  }
0x11e: {  	[hbm4b:s4+s3] =	stream.linear.scatter [tilespmem:s26], [sflag:$0x8], $0x4000, $0x38;
	[tilespmem:$0x18800] =	vst v63  }
0x11f: {  	s4 =	simm.s32 $0xB  }
0x120: {  	_ =	swait.ge [sflag:s4], $0x4000  }
0x121: {  	[sflag:s4] =	ssyncset.done $0x0  }
0x122: {  	[sflag:s4] =	ssyncadd.s32 $0xFFFFC000  }
0x123: {  	v3 =	vld [tilespmem:$0x500];
	_ =	sdelay $0x4  }
0x124: {  	v58 =	vshll.u32 v3, $0x3  }
0x125: {  	v3 =	vand.u32 $0x7, v3;
	v4 =	vand.u32 $0xFFFFFFC0, v58  }
0x126: {  	v3 =	vor.u32 v3, v4  }
0x127: {  	v4 =	vperm.xlane v3, v0;
	_ =	sdelay $0x1  }
0x128: {  	v4 =	vadd.s32 v1, v4;
	_ =	sdelay $0x4  }
0x129: {  	[tilespmem:s11], [sflag:$0x5] =	stream.indirect_vreg.gather [hbm4b:s1+s3], $0x80, v4, vm0, $0xb8;
	[tilespmem:$0x18800] =	vst v63  }
0x12a: {  	v3 =	vperm.xlane v3, v2  }
0x12b: {  	[tilespmem:s23], [sflag:$0x5] =	stream.indirect_vreg.gather [hbm4b:s5+s3], $0x80, v4, vm0, $0xb8;
	[tilespmem:$0x18800] =	vst v63  }
0x12c: {  	v3 =	vadd.s32 v1, v3  }
0x12d: {  	[tilespmem:s13], [sflag:$0x5] =	stream.indirect_vreg.gather [hbm4b:s6+s3], $0x80, v4, vm0, $0xb8;
	[tilespmem:$0x18800] =	vst v63  }
0x12e: {  	_ = 	snop  }
0x12f: {  	[tilespmem:s14], [sflag:$0x5] =	stream.indirect_vreg.gather [hbm4b:s7+s3], $0x80, v4, vm0, $0xb8;
	[tilespmem:$0x18800] =	vst v63  }
0x130: {  	_ = 	snop  }
0x131: {  	[tilespmem:s15], [sflag:$0x5] =	stream.indirect_vreg.gather [hbm4b:s1+s3], $0x80, v3, vm0, $0xb8;
	[tilespmem:$0x18800] =	vst v63  }
0x132: {  	_ = 	snop  }
0x133: {  	[tilespmem:s16], [sflag:$0x5] =	stream.indirect_vreg.gather [hbm4b:s5+s3], $0x80, v3, vm0, $0xb8;
	[tilespmem:$0x18800] =	vst v63  }
0x134: {  	_ = 	snop  }
0x135: {  	[tilespmem:s17], [sflag:$0x5] =	stream.indirect_vreg.gather [hbm4b:s6+s3], $0x80, v3, vm0, $0xb8;
	[tilespmem:$0x18800] =	vst v63  }
0x136: {  	_ = 	snop  }
0x137: {  	[tilespmem:s19], [sflag:$0x5] =	stream.indirect_vreg.gather [hbm4b:s7+s3], $0x80, v3, vm0, $0xb8;
	[tilespmem:$0x18800] =	vst v63  }
0x138: {  	_ =	swait.ge [sflag:s22], $0x4000  }
0x139: {  	[sflag:s22] =	ssyncset.done $0x0  }
0x13a: {  	s13 =	rddreg [dreg:$0xc];
	[sflag:s22] =	ssyncadd.s32 $0xFFFFC000  }
0x13b: {  	[hbm4b:s13+s3] =	stream.linear.scatter [tilespmem:s28], [sflag:$0x9], $0x4000, $0x38;
	[tilespmem:$0x18800] =	vst v63  }
0x13c: {  	s13 =	simm.s32 $0xC  }
0x13d: {  	_ =	swait.ge [sflag:s13], $0x4000  }
0x13e: {  	[sflag:s13] =	ssyncset.done $0x0  }
0x13f: {  	[sflag:s13] =	ssyncadd.s32 $0xFFFFC000  }
0x140: {  	v3 =	vld [tilespmem:$0x580];
	_ =	sdelay $0x4  }
0x141: {  	v59 =	vshll.u32 v3, $0x3  }
0x142: {  	v3 =	vand.u32 $0x7, v3;
	v4 =	vand.u32 $0xFFFFFFC0, v59  }
0x143: {  	v3 =	vor.u32 v3, v4  }
0x144: {  	v4 =	vperm.xlane v3, v0;
	_ =	sdelay $0x1  }
0x145: {  	v4 =	vadd.s32 v1, v4;
	_ =	sdelay $0x4  }
0x146: {  	[tilespmem:s21], [sflag:$0x6] =	stream.indirect_vreg.gather [hbm4b:s1+s3], $0x80, v4, vm0, $0xb8;
	[tilespmem:$0x18800] =	vst v63  }
0x147: {  	s12 =	simm.s32 $0x15000;
	v3 =	vperm.xlane v3, v2  }
0x148: {  	[tilespmem:s12], [sflag:$0x6] =	stream.indirect_vreg.gather [hbm4b:s5+s3], $0x80, v4, vm0, $0xb8;
	[tilespmem:$0x18800] =	vst v63  }
0x149: {  	v3 =	vadd.s32 v1, v3;
	s12 =	simm.s32 $0x15800  }
0x14a: {  	[tilespmem:s12], [sflag:$0x6] =	stream.indirect_vreg.gather [hbm4b:s6+s3], $0x80, v4, vm0, $0xb8;
	[tilespmem:$0x18800] =	vst v63  }
0x14b: {  	s12 =	simm.s32 $0x16000  }
0x14c: {  	[tilespmem:s12], [sflag:$0x6] =	stream.indirect_vreg.gather [hbm4b:s7+s3], $0x80, v4, vm0, $0xb8;
	[tilespmem:$0x18800] =	vst v63  }
0x14d: {  	s12 =	simm.s32 $0x16800  }
0x14e: {  	[tilespmem:s12], [sflag:$0x6] =	stream.indirect_vreg.gather [hbm4b:s1+s3], $0x80, v3, vm0, $0xb8;
	[tilespmem:$0x18800] =	vst v63  }
0x14f: {  	s12 =	simm.s32 $0x17000  }
0x150: {  	[tilespmem:s12], [sflag:$0x6] =	stream.indirect_vreg.gather [hbm4b:s5+s3], $0x80, v3, vm0, $0xb8;
	[tilespmem:$0x18800] =	vst v63  }
0x151: {  	s12 =	simm.s32 $0x17800  }
0x152: {  	[tilespmem:s12], [sflag:$0x6] =	stream.indirect_vreg.gather [hbm4b:s6+s3], $0x80, v3, vm0, $0xb8;
	[tilespmem:$0x18800] =	vst v63  }
0x153: {  	s12 =	simm.s32 $0x18000  }
0x154: {  	[tilespmem:s12], [sflag:$0x6] =	stream.indirect_vreg.gather [hbm4b:s7+s3], $0x80, v3, vm0, $0xb8;
	[tilespmem:$0x18800] =	vst v63  }
0x155: {  	_ =	swait.ge [sflag:s24], $0x4000  }
0x156: {  	[sflag:s24] =	ssyncset.done $0x0  }
0x157: {  	s12 =	rddreg [dreg:$0xd];
	[sflag:s24] =	ssyncadd.s32 $0xFFFFC000  }
0x158: {  	[hbm4b:s12+s3] =	stream.linear.scatter [tilespmem:s10], [sflag:$0xA], $0x4000, $0x38;
	[tilespmem:$0x18800] =	vst v63  }
0x159: {  	_ =	swait.ge [sflag:s25], $0x4000  }
0x15a: {  	[sflag:s25] =	ssyncset.done $0x0  }
0x15b: {  	[sflag:s25] =	ssyncadd.s32 $0xFFFFC000  }
0x15c: {  	v3 =	vld [tilespmem:$0x600];
	_ =	sdelay $0x4  }
0x15d: {  	v60 =	vshll.u32 v3, $0x3  }
0x15e: {  	v3 =	vand.u32 $0x7, v3;
	v4 =	vand.u32 $0xFFFFFFC0, v60  }
0x15f: {  	v3 =	vor.u32 v3, v4  }
0x160: {  	v4 =	vperm.xlane v3, v0;
	_ =	sdelay $0x1  }
0x161: {  	v4 =	vadd.s32 v1, v4;
	_ =	sdelay $0x4  }
0x162: {  	[tilespmem:s18], [sflag:$0x1] =	stream.indirect_vreg.gather [hbm4b:s1+s3], $0x80, v4, vm0, $0xb8;
	[tilespmem:$0x18800] =	vst v63  }
0x163: {  	s12 =	simm.s32 $0x1000;
	v3 =	vperm.xlane v3, v2  }
0x164: {  	[tilespmem:s12], [sflag:$0x1] =	stream.indirect_vreg.gather [hbm4b:s5+s3], $0x80, v4, vm0, $0xb8;
	[tilespmem:$0x18800] =	vst v63  }
0x165: {  	v3 =	vadd.s32 v1, v3;
	s12 =	simm.s32 $0x1800  }
0x166: {  	[tilespmem:s12], [sflag:$0x1] =	stream.indirect_vreg.gather [hbm4b:s6+s3], $0x80, v4, vm0, $0xb8;
	[tilespmem:$0x18800] =	vst v63  }
0x167: {  	s12 =	simm.s32 $0x2000  }
0x168: {  	[tilespmem:s12], [sflag:$0x1] =	stream.indirect_vreg.gather [hbm4b:s7+s3], $0x80, v4, vm0, $0xb8;
	[tilespmem:$0x18800] =	vst v63  }
0x169: {  	s12 =	simm.s32 $0x2800  }
0x16a: {  	[tilespmem:s12], [sflag:$0x1] =	stream.indirect_vreg.gather [hbm4b:s1+s3], $0x80, v3, vm0, $0xb8;
	[tilespmem:$0x18800] =	vst v63  }
0x16b: {  	s12 =	simm.s32 $0x3000  }
0x16c: {  	[tilespmem:s12], [sflag:$0x1] =	stream.indirect_vreg.gather [hbm4b:s5+s3], $0x80, v3, vm0, $0xb8;
	[tilespmem:$0x18800] =	vst v63  }
0x16d: {  	s12 =	simm.s32 $0x3800  }
0x16e: {  	[tilespmem:s12], [sflag:$0x1] =	stream.indirect_vreg.gather [hbm4b:s6+s3], $0x80, v3, vm0, $0xb8;
	[tilespmem:$0x18800] =	vst v63  }
0x16f: {  	s12 =	simm.s32 $0x4000  }
0x170: {  	[tilespmem:s12], [sflag:$0x1] =	stream.indirect_vreg.gather [hbm4b:s7+s3], $0x80, v3, vm0, $0xb8;
	[tilespmem:$0x18800] =	vst v63  }
0x171: {  	_ =	swait.ge [sflag:s0], $0x4000  }
0x172: {  	[sflag:s0] =	ssyncset.done $0x0  }
0x173: {  	s12 =	rddreg [dreg:$0xe];
	[sflag:s0] =	ssyncadd.s32 $0xFFFFC000  }
0x174: {  	[hbm4b:s12+s3] =	stream.linear.scatter [tilespmem:s11], [sflag:$0xB], $0x4000, $0x38;
	[tilespmem:$0x18800] =	vst v63  }
0x175: {  	_ =	swait.ge [sflag:s29], $0x4000  }
0x176: {  	[sflag:s29] =	ssyncset.done $0x0  }
0x177: {  	[sflag:s29] =	ssyncadd.s32 $0xFFFFC000  }
0x178: {  	v3 =	vld [tilespmem:$0x680];
	_ =	sdelay $0x4  }
0x179: {  	v61 =	vshll.u32 v3, $0x3  }
0x17a: {  	v3 =	vand.u32 $0x7, v3;
	v4 =	vand.u32 $0xFFFFFFC0, v61  }
0x17b: {  	v3 =	vor.u32 v3, v4  }
0x17c: {  	v4 =	vperm.xlane v3, v0;
	_ =	sdelay $0x1  }
0x17d: {  	v4 =	vadd.s32 v1, v4;
	_ =	sdelay $0x4  }
0x17e: {  	[tilespmem:s26], [sflag:$0x2] =	stream.indirect_vreg.gather [hbm4b:s1+s3], $0x80, v4, vm0, $0xb8;
	[tilespmem:$0x18800] =	vst v63  }
0x17f: {  	s12 =	simm.s32 $0x5000;
	v3 =	vperm.xlane v3, v2  }
0x180: {  	[tilespmem:s12], [sflag:$0x2] =	stream.indirect_vreg.gather [hbm4b:s5+s3], $0x80, v4, vm0, $0xb8;
	[tilespmem:$0x18800] =	vst v63  }
0x181: {  	v3 =	vadd.s32 v1, v3;
	s12 =	simm.s32 $0x5800  }
0x182: {  	[tilespmem:s12], [sflag:$0x2] =	stream.indirect_vreg.gather [hbm4b:s6+s3], $0x80, v4, vm0, $0xb8;
	[tilespmem:$0x18800] =	vst v63  }
0x183: {  	s12 =	simm.s32 $0x6000  }
0x184: {  	[tilespmem:s12], [sflag:$0x2] =	stream.indirect_vreg.gather [hbm4b:s7+s3], $0x80, v4, vm0, $0xb8;
	[tilespmem:$0x18800] =	vst v63  }
0x185: {  	s12 =	simm.s32 $0x6800  }
0x186: {  	[tilespmem:s12], [sflag:$0x2] =	stream.indirect_vreg.gather [hbm4b:s1+s3], $0x80, v3, vm0, $0xb8;
	[tilespmem:$0x18800] =	vst v63  }
0x187: {  	s12 =	simm.s32 $0x7000  }
0x188: {  	[tilespmem:s12], [sflag:$0x2] =	stream.indirect_vreg.gather [hbm4b:s5+s3], $0x80, v3, vm0, $0xb8;
	[tilespmem:$0x18800] =	vst v63  }
0x189: {  	s12 =	simm.s32 $0x7800  }
0x18a: {  	[tilespmem:s12], [sflag:$0x2] =	stream.indirect_vreg.gather [hbm4b:s6+s3], $0x80, v3, vm0, $0xb8;
	[tilespmem:$0x18800] =	vst v63  }
0x18b: {  	s12 =	simm.s32 $0x8000  }
0x18c: {  	[tilespmem:s12], [sflag:$0x2] =	stream.indirect_vreg.gather [hbm4b:s7+s3], $0x80, v3, vm0, $0xb8;
	[tilespmem:$0x18800] =	vst v63  }
0x18d: {  	_ =	swait.ge [sflag:s9], $0x4000  }
0x18e: {  	[sflag:s9] =	ssyncset.done $0x0  }
0x18f: {  	s0 =	rddreg [dreg:$0xf];
	[sflag:s9] =	ssyncadd.s32 $0xFFFFC000  }
0x190: {  	[hbm4b:s0+s3] =	stream.linear.scatter [tilespmem:s21], [sflag:$0xC], $0x4000, $0x38;
	[tilespmem:$0x18800] =	vst v63  }
0x191: {  	_ =	swait.ge [sflag:s31], $0x4000  }
0x192: {  	[sflag:s31] =	ssyncset.done $0x0  }
0x193: {  	[sflag:s31] =	ssyncadd.s32 $0xFFFFC000  }
0x194: {  	v3 =	vld [tilespmem:$0x700];
	_ =	sdelay $0x4  }
0x195: {  	v62 =	vshll.u32 v3, $0x3  }
0x196: {  	v3 =	vand.u32 $0x7, v3;
	v4 =	vand.u32 $0xFFFFFFC0, v62  }
0x197: {  	v3 =	vor.u32 v3, v4  }
0x198: {  	v4 =	vperm.xlane v3, v0;
	_ =	sdelay $0x1  }
0x199: {  	v4 =	vadd.s32 v1, v4;
	_ =	sdelay $0x4  }
0x19a: {  	[tilespmem:s28], [sflag:$0x3] =	stream.indirect_vreg.gather [hbm4b:s1+s3], $0x80, v4, vm0, $0xb8;
	[tilespmem:$0x18800] =	vst v63  }
0x19b: {  	s12 =	simm.s32 $0x9000;
	v3 =	vperm.xlane v3, v2  }
0x19c: {  	[tilespmem:s12], [sflag:$0x3] =	stream.indirect_vreg.gather [hbm4b:s5+s3], $0x80, v4, vm0, $0xb8;
	[tilespmem:$0x18800] =	vst v63  }
0x19d: {  	s9 =	simm.s32 $0x9800;
	v3 =	vadd.s32 v1, v3  }
0x19e: {  	[tilespmem:s9], [sflag:$0x3] =	stream.indirect_vreg.gather [hbm4b:s6+s3], $0x80, v4, vm0, $0xb8;
	[tilespmem:$0x18800] =	vst v63  }
0x19f: {  	s12 =	simm.s32 $0xA000  }
0x1a0: {  	[tilespmem:s12], [sflag:$0x3] =	stream.indirect_vreg.gather [hbm4b:s7+s3], $0x80, v4, vm0, $0xb8;
	[tilespmem:$0x18800] =	vst v63  }
0x1a1: {  	s9 =	simm.s32 $0xA800  }
0x1a2: {  	[tilespmem:s9], [sflag:$0x3] =	stream.indirect_vreg.gather [hbm4b:s1+s3], $0x80, v3, vm0, $0xb8;
	[tilespmem:$0x18800] =	vst v63  }
0x1a3: {  	s12 =	simm.s32 $0xB000  }
0x1a4: {  	[tilespmem:s12], [sflag:$0x3] =	stream.indirect_vreg.gather [hbm4b:s5+s3], $0x80, v3, vm0, $0xb8;
	[tilespmem:$0x18800] =	vst v63  }
0x1a5: {  	s9 =	simm.s32 $0xB800  }
0x1a6: {  	[tilespmem:s9], [sflag:$0x3] =	stream.indirect_vreg.gather [hbm4b:s6+s3], $0x80, v3, vm0, $0xb8;
	[tilespmem:$0x18800] =	vst v63  }
0x1a7: {  	s12 =	simm.s32 $0xC000  }
0x1a8: {  	[tilespmem:s12], [sflag:$0x3] =	stream.indirect_vreg.gather [hbm4b:s7+s3], $0x80, v3, vm0, $0xb8;
	[tilespmem:$0x18800] =	vst v63  }
0x1a9: {  	_ =	swait.ge [sflag:s30], $0x4000  }
0x1aa: {  	[sflag:s30] =	ssyncset.done $0x0  }
0x1ab: {  	s9 =	rddreg [dreg:$0x10];
	[sflag:s30] =	ssyncadd.s32 $0xFFFFC000  }
0x1ac: {  	[hbm4b:s9+s3] =	stream.linear.scatter [tilespmem:s18], [sflag:$0x7], $0x4000, $0x38;
	[tilespmem:$0x18800] =	vst v63  }
0x1ad: {  	_ =	swait.ge [sflag:s2], $0x4000  }
0x1ae: {  	[sflag:s2] =	ssyncset.done $0x0  }
0x1af: {  	[sflag:s2] =	ssyncadd.s32 $0xFFFFC000  }
0x1b0: {  	v3 =	vld [tilespmem:$0x780];
	_ =	sdelay $0x4  }
0x1b1: {  	v63 =	vshll.u32 v3, $0x3  }
0x1b2: {  	v3 =	vand.u32 $0x7, v3;
	v4 =	vand.u32 $0xFFFFFFC0, v63  }
0x1b3: {  	v3 =	vor.u32 v3, v4  }
0x1b4: {  	v4 =	vperm.xlane v3, v0;
	_ =	sdelay $0x1  }
0x1b5: {  	v4 =	vadd.s32 v1, v4;
	_ =	sdelay $0x4  }
0x1b6: {  	[tilespmem:s10], [sflag:$0x4] =	stream.indirect_vreg.gather [hbm4b:s1+s3], $0x80, v4, vm0, $0xb8;
	[tilespmem:$0x18800] =	vst v63  }
0x1b7: {  	s12 =	simm.s32 $0xD000;
	v3 =	vperm.xlane v3, v2  }
0x1b8: {  	[tilespmem:s12], [sflag:$0x4] =	stream.indirect_vreg.gather [hbm4b:s5+s3], $0x80, v4, vm0, $0xb8;
	[tilespmem:$0x18800] =	vst v63  }
0x1b9: {  	s9 =	simm.s32 $0xD800;
	v3 =	vadd.s32 v1, v3  }
0x1ba: {  	[tilespmem:s9], [sflag:$0x4] =	stream.indirect_vreg.gather [hbm4b:s6+s3], $0x80, v4, vm0, $0xb8;
	[tilespmem:$0x18800] =	vst v63  }
0x1bb: {  	s12 =	simm.s32 $0xE000  }
0x1bc: {  	[tilespmem:s12], [sflag:$0x4] =	stream.indirect_vreg.gather [hbm4b:s7+s3], $0x80, v4, vm0, $0xb8;
	[tilespmem:$0x18800] =	vst v63  }
0x1bd: {  	s9 =	simm.s32 $0xE800  }
0x1be: {  	[tilespmem:s9], [sflag:$0x4] =	stream.indirect_vreg.gather [hbm4b:s1+s3], $0x80, v3, vm0, $0xb8;
	[tilespmem:$0x18800] =	vst v63  }
0x1bf: {  	s12 =	simm.s32 $0xF000  }
0x1c0: {  	[tilespmem:s12], [sflag:$0x4] =	stream.indirect_vreg.gather [hbm4b:s5+s3], $0x80, v3, vm0, $0xb8;
	[tilespmem:$0x18800] =	vst v63  }
0x1c1: {  	s9 =	simm.s32 $0xF800  }
0x1c2: {  	[tilespmem:s9], [sflag:$0x4] =	stream.indirect_vreg.gather [hbm4b:s6+s3], $0x80, v3, vm0, $0xb8;
	[tilespmem:$0x18800] =	vst v63  }
0x1c3: {  	s12 =	simm.s32 $0x10000  }
0x1c4: {  	[tilespmem:s12], [sflag:$0x4] =	stream.indirect_vreg.gather [hbm4b:s7+s3], $0x80, v3, vm0, $0xb8;
	[tilespmem:$0x18800] =	vst v63  }
0x1c5: {  	_ =	swait.ge [sflag:s20], $0x4000  }
0x1c6: {  	[sflag:s20] =	ssyncset.done $0x0  }
0x1c7: {  	s9 =	rddreg [dreg:$0x11];
	[sflag:s20] =	ssyncadd.s32 $0xFFFFC000  }
0x1c8: {  	[hbm4b:s9+s3] =	stream.linear.scatter [tilespmem:s26], [sflag:$0x8], $0x4000, $0x38;
	[tilespmem:$0x18800] =	vst v63  }
0x1c9: {  	_ =	swait.ge [sflag:s22], $0x4000  }
0x1ca: {  	[sflag:s22] =	ssyncset.done $0x0  }
0x1cb: {  	s0 =	rddreg [dreg:$0x12];
	[sflag:s22] =	ssyncadd.s32 $0xFFFFC000  }
0x1cc: {  	[hbm4b:s0+s3] =	stream.linear.scatter [tilespmem:s28], [sflag:$0x9], $0x4000, $0x38;
	[tilespmem:$0x18800] =	vst v63  }
0x1cd: {  	_ =	swait.ge [sflag:s24], $0x4000  }
0x1ce: {  	[sflag:s24] =	ssyncset.done $0x0  }
0x1cf: {  	s9 =	rddreg [dreg:$0x13];
	[sflag:s24] =	ssyncadd.s32 $0xFFFFC000  }
0x1d0: {  	[hbm4b:s9+s3] =	stream.linear.scatter [tilespmem:s10], [sflag:$0xA], $0x4000, $0x38;
	[tilespmem:$0x18800] =	vst v63  }
0x1d1: {  	_ =	swait.ge [sflag:s4], $0x4000  }
0x1d2: {  	[sflag:s4] =	ssyncset.done $0x0  }
0x1d3: {  	[sflag:s4] =	ssyncadd.s32 $0xFFFFC000  }
0x1d4: {  	_ =	swait.ge [sflag:s13], $0x4000  }
0x1d5: {  	[sflag:s13] =	ssyncset.done $0x0  }
0x1d6: {  	[sflag:s13] =	ssyncadd.s32 $0xFFFFC000  }
0x1d7: {  	_ =	swait.ge [sflag:s25], $0x4000  }
0x1d8: {  	[sflag:s25] =	ssyncset.done $0x0  }
0x1d9: {  	[sflag:s25] =	ssyncadd.s32 $0xFFFFC000  }
0x1da: {  	_ =	swait.ge [sflag:s29], $0x4000  }
0x1db: {  	[sflag:s29] =	ssyncset.done $0x0  }
0x1dc: {  	[sflag:s29] =	ssyncadd.s32 $0xFFFFC000  }
0x1dd: {  	p0 =	sne.s32 s8, $0x1;
	_ =	swait.ge [sflag:s31], $0x4000  }
.Ltmp0:
0x1de: {  	[sflag:s31] =	ssyncset.done $0x0;
	(pc) =	sbr.rel @p0 .LBB2_1-.Ltmp0, $4  }
0x1df: {  	[sflag:s31] =	ssyncadd.s32 $0xFFFFC000  }
0x1e0: {  	_ =	swait.ge [sflag:s2], $0x4000  }
0x1e1: {  	[sflag:s2] =	ssyncset.done $0x0  }
0x1e2: {  	s8 =	sadd.s32 $0xFFFFFFFF, s8;
	[sflag:s2] =	ssyncadd.s32 $0xFFFFC000  }
0x1e3: {  	_ =	sfence.sel $0x180000  }
0x1e4: {  	[bflag:$0x0] =	sbarrier.arrive $0xFFFF  }
0x1e5: {  	_ =	strace $0x90000047  }
0x1e6: {  	s0 =	stileid.u32;
	[bflag:$0x2] =	sbarrier.arrive $0xFFFF  }
0x1e7: {  	p0 =	sne.s32 s0, $0x0;
	s0 =	rddreg [dreg:$0x3]  }
0x1e8: {  	s0 =	sadd.s32 @!p0 $0x100000, s0  }
0x1e9: {  	[sflag:s0] =	ssyncadd.tile.s32 @!p0 $0x1;
	_ =	shalt  }
.Lfunc_end2:
_tile_overlayer_lowered:
.L_overlay_start_2:
0x1ea: {  	(tag) =	ssettag $0x2  }
0x1eb: {  	s0 =	rddreg [dreg:$0x0];
	s2 =	stileid.u32  }
0x1ec: {  	s1 =	rddreg [dreg:$0x1];
	p0 =	sne.s32 s2, $0x0  }
0x1ed: {  	s3 =	rddreg [dreg:$0x2];
	[bflag:$0x3] =	sbarrier.arrive $0xFFFF;
	s2 =	simm.s32 @!p0 $0x1C0D  }
0x1ee: {  	[timem:s3], [sflag:s2] =	dma.local @!p0 [hbm:s0], s1  }
0x1ef: {  	s0 =	simm.s32 @!p0 $0xD  }
0x1f0: {  	_ =	swait.ge @!p0 [sflag:s0], s1  }
0x1f1: {  	s1 =	ssub.s32 @!p0 $0x0, s1;
	[sflag:s0] =	ssyncset.done @!p0 $0x0  }
0x1f2: {  	[sflag:s0] =	ssyncadd.s32 @!p0 s1  }
0x1f3: {  	[bflag:$0x3] =	sbarrier.arrive $0xFFFF  }
0x1f4: {  	_ =	shalt  }

</sc_bundles>
